<compile_context>
chip_gen: v7x
topology: tpu7x:2x2x1
jax: 0.10.2.dev20260603
libtpu: 0.0.44.dev20260713+nightly
codegen_flags: <defaults>
</compile_context>

<pallas_src>
import jax
import jax.numpy as jnp
from jax.experimental import pallas as pl
from jax.experimental.pallas import tpu as pltpu
from jax.experimental.pallas import tpu_sc as plsc

_EMBEDDING_DIM = 128
_STEPS = 32
_N_FREQS = 16
_N_ATOMS = 256
_TIME = 1024
_BATCH = 2
_NB = 2 * _BATCH
_NEG = float("-inf")

_L = 16
_NCORE = 2
_NSUB = 16
_PER_BATCH = _N_ATOMS * _TIME
_W_PER_B = 8
_CHUNK = _PER_BATCH // _W_PER_B
_NVEC = _CHUNK // _L
_NGRP = 32
_GVEC = _NVEC // _NGRP


def _pos_encode(x, n_freqs=_N_FREQS):
    outs = [x]
    for i in range(n_freqs):
        outs.append(jnp.sin((2.0 ** i) * x))
        outs.append(jnp.cos((2.0 ** i) * x))
    return jnp.concatenate(outs, axis=-1)


def _scal(x):
    return x if x.ndim == 0 else jax.lax.reduce_max(x, (0,))


def _sc_top32_body(a_ref, b_ref, vals_ref, flat_ref, stv_ref, stf_ref,
                   chunk, s1, lv, lf, mv, mf):
    c = jax.lax.axis_index("c")
    s = jax.lax.axis_index("s")
    batch = c * 2 + s // _W_PER_B
    w = s % _W_PER_B
    off = (batch % 2) * _PER_BATCH + w * _CHUNK

    @pl.when(batch < 2)
    def _():
        pltpu.sync_copy(a_ref.at[pl.ds(off, _CHUNK)], chunk)

    @pl.when(batch >= 2)
    def _():
        pltpu.sync_copy(b_ref.at[pl.ds(off, _CHUNK)], chunk)

    iota = jax.lax.broadcasted_iota(jnp.int32, (_L,), 0)
    neg = jnp.float32(_NEG)
    big = jnp.int32(1 << 30)

    def build_g(g, acc):
        def inner(j16, m):
            for u in range(16):
                v = plsc.load_gather(
                    chunk, [(g * _GVEC + j16 * 16 + u) * _L + iota])
                m = jnp.maximum(m, v)
            return m
        m = jax.lax.fori_loop(0, _GVEC // 16, inner, jnp.full((_L,), neg))
        plsc.store_scatter(s1, [g * _L + iota], m)
        return jnp.maximum(acc, m)

    m_run = jax.lax.fori_loop(0, _NGRP, build_g, jnp.full((_L,), neg))

    def extract(i, m_vec):
        m = jax.lax.reduce_max(m_vec, (0,))
        lane = _scal(plsc.all_reduce_ffs(m_vec == m))
        col0 = plsc.load_gather(s1, [lane + _L * iota])
        col1 = plsc.load_gather(s1, [lane + _L * (iota + _L)])
        cg = jnp.minimum(jnp.where(col0 == m, iota, big),
                         jnp.where(col1 == m, iota + _L, big))
        g = jax.lax.reduce_min(cg, (0,))
        gbase = g * _GVEC
        vqs, cand = [], None
        for q in range(4):
            idxq = (gbase + q * _L + iota) * _L + lane
            vq = plsc.load_gather(chunk, [idxq])
            vqs.append(vq)
            cq = jnp.where(vq == m, gbase + q * _L + iota, big)
            cand = cq if cand is None else jnp.minimum(cand, cq)
        vsel = jax.lax.reduce_min(cand, (0,))
        flat = vsel * _L + lane
        plsc.store_scatter(chunk, [flat + iota * 0], jnp.full((_L,), neg),
                           mask=iota == 0)
        gm_vec = None
        for q in range(4):
            vv = jnp.where((gbase + q * _L + iota) == vsel, neg, vqs[q])
            gm_vec = vv if gm_vec is None else jnp.maximum(gm_vec, vv)
        gm = jax.lax.reduce_max(gm_vec, (0,))
        plsc.store_scatter(s1, [g * _L + lane + iota * 0],
                           jnp.full((_L,), gm), mask=iota == 0)
        col0u = jnp.where(iota == g, gm, col0)
        col1u = jnp.where(iota + _L == g, gm, col1)
        cmax = jax.lax.reduce_max(jnp.maximum(col0u, col1u), (0,))
        m_vec = jnp.where(iota == lane, cmax, m_vec)
        plsc.store_scatter(lv, [i + iota * 0], jnp.full((_L,), m),
                           mask=iota == 0)
        plsc.store_scatter(lf, [i + iota * 0],
                           jnp.full((_L,), w * _CHUNK + flat),
                           mask=iota == 0)
        return m_vec

    jax.lax.fori_loop(0, _STEPS, extract, m_run)

    wid = c * _NSUB + s
    pltpu.sync_copy(lv, stv_ref.at[pl.ds(wid * _STEPS, _STEPS)])
    pltpu.sync_copy(lf, stf_ref.at[pl.ds(wid * _STEPS, _STEPS)])
    plsc.subcore_barrier()

    @pl.when(w == 0)
    def _():
        for k in range(_W_PER_B):
            pltpu.sync_copy(stv_ref.at[pl.ds((wid + k) * _STEPS, _STEPS)],
                            mv.at[pl.ds(k * _STEPS, _STEPS)])
            pltpu.sync_copy(stf_ref.at[pl.ds((wid + k) * _STEPS, _STEPS)],
                            mf.at[pl.ds(k * _STEPS, _STEPS)])

        in8 = iota < _W_PER_B
        p0 = jnp.where(in8, iota * _STEPS, 0)
        h0 = jnp.where(in8, plsc.load_gather(mv, [p0]), neg)
        f0 = jnp.where(in8, plsc.load_gather(mf, [p0]), big)

        def mstep(i, carry):
            h, hf, p = carry
            m = jax.lax.reduce_max(h, (0,))
            fsel = jax.lax.reduce_min(jnp.where(h == m, hf, big), (0,))
            win = (h == m) & (hf == fsel)
            p2 = jnp.where(win, p + 1, p)
            idx = jnp.minimum(p2, _W_PER_B * _STEPS - 1)
            nh = plsc.load_gather(mv, [idx])
            nf = plsc.load_gather(mf, [idx])
            done = p2 >= (iota + 1) * _STEPS
            h = jnp.where(win, jnp.where(done, neg, nh), h)
            hf = jnp.where(win, jnp.where(done, big, nf), hf)
            plsc.store_scatter(lv, [i + iota * 0], jnp.full((_L,), m),
                               mask=iota == 0)
            plsc.store_scatter(lf, [i + iota * 0], jnp.full((_L,), fsel),
                               mask=iota == 0)
            return h, hf, p2

        jax.lax.fori_loop(0, _STEPS, mstep, (h0, f0, p0))
        pltpu.sync_copy(lv, vals_ref.at[pl.ds(batch * _STEPS, _STEPS)])
        pltpu.sync_copy(lf, flat_ref.at[pl.ds(batch * _STEPS, _STEPS)])


def _assemble_body(emb_ref, keys_s_ref, keys_l_ref, out_ref):
    emb = emb_ref[...]
    keys = keys_s_ref[...]
    keys_t = keys_l_ref[...]
    it_k = jax.lax.broadcasted_iota(jnp.int32, (_NB, _STEPS, 1), 1)
    it_kp = jax.lax.broadcasted_iota(jnp.int32, (_NB, 1, _STEPS), 2)
    less = keys_t < keys
    tie = (keys_t == keys) & (it_kp < it_k)
    ranks = jnp.sum((less | tie).astype(jnp.int32), axis=2, keepdims=True)
    perm = (ranks == it_kp).astype(jnp.float32)
    emb_sorted = jax.lax.dot_general(
        perm, emb, (((1,), (1,)), ((0,), (0,))),
        precision=jax.lax.Precision.HIGHEST,
        preferred_element_type=jnp.float32)
    diff = emb_sorted[:_BATCH] - emb_sorted[_BATCH:]
    total = jnp.sum(diff * diff, axis=(0, 1, 2), keepdims=True)
    out_ref[...] = total.reshape(1, 1) / (_BATCH * _STEPS * _EMBEDDING_DIM)


def kernel(a, b, embeddings, ordering_w):
    mesh = plsc.VectorSubcoreMesh(core_axis_name="c", subcore_axis_name="s",
                                  num_cores=_NCORE, num_subcores=_NSUB)
    vals, flat, _, _ = pl.kernel(
        _sc_top32_body,
        out_type=[
            jax.ShapeDtypeStruct((_NB * _STEPS,), jnp.float32),
            jax.ShapeDtypeStruct((_NB * _STEPS,), jnp.int32),
            jax.ShapeDtypeStruct((_NCORE * _NSUB * _STEPS,), jnp.float32),
            jax.ShapeDtypeStruct((_NCORE * _NSUB * _STEPS,), jnp.int32),
        ],
        mesh=mesh,
        compiler_params=pltpu.CompilerParams(needs_layout_passes=False),
        scratch_types=[
            pltpu.VMEM((_CHUNK,), jnp.float32),
            pltpu.VMEM((_NGRP * _L,), jnp.float32),
            pltpu.VMEM((_STEPS,), jnp.float32),
            pltpu.VMEM((_STEPS,), jnp.int32),
            pltpu.VMEM((_W_PER_B * _STEPS,), jnp.float32),
            pltpu.VMEM((_W_PER_B * _STEPS,), jnp.int32),
        ],
    )(a.reshape(-1), b.reshape(-1))

    vals = vals.reshape(_NB, _STEPS)
    flat = flat.reshape(_NB, _STEPS)
    aidx = flat // _TIME
    tidx = flat - aidx * _TIME

    rng = jnp.linspace(0.0, 1.0, _TIME)
    scalar_pos = rng[tidx]
    pos_enc = _pos_encode(scalar_pos[..., None])
    v_enc = _pos_encode(vals[..., None])
    a_emb = embeddings[aidx]
    emb = jnp.concatenate([pos_enc, v_enc, a_emb], axis=-1)
    keys = emb @ ordering_w

    out = pl.pallas_call(
        _assemble_body,
        out_shape=jax.ShapeDtypeStruct((1, 1), jnp.float32),
    )(emb, keys.reshape(_NB, _STEPS, 1), keys.reshape(_NB, 1, _STEPS))
    return out.reshape(())

# --- scband reference (transcript-rebuilt; emitter-appended) ---
"""Pipeline reference for scband-sparse-coding-loss-81664508166413 (READ-ONLY COPY).

The authoritative reference and input builder live on the scoring server;
editing this copy changes nothing except your own understanding.
"""

import jax, jax.numpy as jnp
import numpy as np

EMBEDDING_DIM = 128
SPARSE_CODING_STEPS = 32
N_FREQS = 16
N_ATOMS = 256
TIME = 1024
BATCH = 2
D_EMB = EMBEDDING_DIM - 2 * (1 + 2 * N_FREQS)  # 62 so that 33 + 33 + D_EMB == embedding_dim


def pos_encode_feature(x, n_freqs=N_FREQS):
    outs = [x]
    for i in range(n_freqs):
        outs.append(jnp.sin((2.0 ** i) * x))
        outs.append(jnp.cos((2.0 ** i) * x))
    return jnp.concatenate(outs, axis=-1)


def soft_dirac(x, axis=-1):
    sm = jax.nn.softmax(x, axis=axis)
    hard = (sm == jnp.max(sm, axis=axis, keepdims=True)).astype(sm.dtype)
    # straight-through: forward hard one-hot, backward softmax
    return sm + jax.lax.stop_gradient(hard - sm)


def sparsify_top1(fm):
    b = fm.shape[0]
    flat = fm.reshape(b, -1)
    vals, idx = jax.lax.top_k(flat, 1)
    oh = jax.nn.one_hot(idx[:, 0], flat.shape[1], dtype=fm.dtype)
    sparse = (oh * vals).reshape(fm.shape)
    return sparse, idx, vals


def extract_atom_embedding(fm, embeddings):
    b, n_atoms, t = fm.shape
    sfm, idx, vals = sparsify_top1(fm)
    position = jnp.sum(sfm, axis=1, keepdims=True)
    position = soft_dirac(position, axis=-1)
    rng = jnp.linspace(0.0, 1.0, t)
    position = position * rng[None, None, :]
    scalar_pos = jnp.sum(position, axis=(1, 2)).reshape(b, 1)
    pos_enc = pos_encode_feature(scalar_pos)
    v = vals.reshape(b, 1)
    v_enc = pos_encode_feature(v)
    a = jnp.sum(sfm, axis=-1, keepdims=True)
    a = soft_dirac(a, axis=1).reshape(b, n_atoms)
    a_emb = a @ embeddings
    emb = jnp.concatenate([pos_enc, v_enc, a_emb], axis=-1)
    return emb, sfm


def encode(x, embeddings, steps=SPARSE_CODING_STEPS):
    def step(fm, _):
        emb, sfm = extract_atom_embedding(fm, embeddings)
        return fm - sfm, emb
    _, embs = jax.lax.scan(step, x, None, length=steps)
    return jnp.transpose(embs, (1, 0, 2))  # [batch, steps, embedding_dim]


def canonical_ordering(embs, w):
    keys = embs @ w  # [batch, steps]
    order = jnp.argsort(keys, axis=-1)
    return jnp.take_along_axis(embs, order[:, :, None], axis=1)


def setup_inputs(seed: int = 0):
    key = jax.random.key(seed)
    k1, k2, k3, k4 = jax.random.split(key, 4)
    a = jax.random.normal(k1, (BATCH, N_ATOMS, TIME), jnp.float32)
    b = jax.random.normal(k2, (BATCH, N_ATOMS, TIME), jnp.float32)
    embeddings = jax.random.normal(k3, (N_ATOMS, D_EMB), jnp.float32) * 0.02
    ordering_w = jax.random.normal(k4, (EMBEDDING_DIM,), jnp.float32)
    return {"a": a, "b": b, "embeddings": embeddings, "ordering_w": ordering_w}


def reference(a, b, embeddings, ordering_w):
    ae = canonical_ordering(encode(a, embeddings), ordering_w)
    be = canonical_ordering(encode(b, embeddings), ordering_w)
    return jnp.mean((ae - be) ** 2)

if __name__ == "__main__":
    import jax
    _d = setup_inputs()
    print(jax.jit(kernel)(*tuple(_d.values())))

</pallas_src>

<mosaic_0001>
#map = affine_map<(d0, d1) -> (0)>
module attributes {stable_mosaic.version = 14 : i64} {
  func.func @_sc_top32_body(%arg0: i32, %arg1: i32, %arg2: memref<524288xf32, #tpu.memory_space<hbm>>, %arg3: memref<524288xf32, #tpu.memory_space<hbm>>, %arg4: memref<128xf32, #tpu.memory_space<hbm>>, %arg5: memref<128xi32, #tpu.memory_space<hbm>>, %arg6: memref<1024xf32, #tpu.memory_space<hbm>>, %arg7: memref<1024xi32, #tpu.memory_space<hbm>>, %arg8: memref<32768xf32, #tpu.memory_space<vmem>>, %arg9: memref<512xf32, #tpu.memory_space<vmem>>, %arg10: memref<32xf32, #tpu.memory_space<vmem>>, %arg11: memref<32xi32, #tpu.memory_space<vmem>>, %arg12: memref<256xf32, #tpu.memory_space<vmem>>, %arg13: memref<256xi32, #tpu.memory_space<vmem>>) attributes {dimension_semantics = [#tpu.dimension_semantics<core_parallel>, #tpu.dimension_semantics<subcore_parallel>], iteration_bounds = array<i64: 2, 16>, scalar_prefetch = 0 : i64, scratch_operands = 6 : i64, tpu.core_type = #tpu.core_type<sc_vector_subcore>, window_params = [{transform_indices = #map}, {transform_indices = #map}, {transform_indices = #map}, {transform_indices = #map}, {transform_indices = #map}, {transform_indices = #map}]} {
    %mul3A = arith.constant 2 : i32
    %mul3A_0 = arith.muli %arg0, %mul3A : i32
    %jit3A = arith.constant 8 : i32
    %div3A = arith.divsi %arg1, %jit3A : i32
    %sign3A = arith.constant 0 : i32
    %sign3A_1 = arith.cmpi sgt, %arg1, %sign3A : i32
    %sign3A_2 = arith.extui %sign3A_1 : i1 to i32
    %sign3A_3 = arith.constant 0 : i32
    %sign3A_4 = arith.cmpi slt, %arg1, %sign3A_3 : i32
    %sign3A_5 = arith.extui %sign3A_4 : i1 to i32
    %sign3A_6 = arith.subi %sign3A_2, %sign3A_5 : i32
    %sign3A_7 = arith.constant 0 : i32
    %sign3A_8 = arith.cmpi sgt, %jit3A, %sign3A_7 : i32
    %sign3A_9 = arith.extui %sign3A_8 : i1 to i32
    %sign3A_10 = arith.constant 0 : i32
    %sign3A_11 = arith.cmpi slt, %jit3A, %sign3A_10 : i32
    %sign3A_12 = arith.extui %sign3A_11 : i1 to i32
    %sign3A_13 = arith.subi %sign3A_9, %sign3A_12 : i32
    %ne3A = arith.cmpi ne, %sign3A_6, %sign3A_13 : i32
    %rem3A = arith.remsi %arg1, %jit3A : i32
    %ne3A_14 = arith.constant 0 : i32
    %ne3A_15 = arith.cmpi ne, %rem3A, %ne3A_14 : i32
    %and3A = arith.andi %ne3A, %ne3A_15 : i1
    %sub3A = arith.constant 1 : i32
    %sub3A_16 = arith.subi %div3A, %sub3A : i32
    %select_n3A = arith.select %and3A, %sub3A_16, %div3A : i32
    %add3A = arith.addi %mul3A_0, %select_n3A : i32
    %jit3A_17 = arith.constant 8 : i32
    %eq3A = arith.constant 0 : i32
    %eq3A_18 = arith.cmpi eq, %jit3A_17, %eq3A : i32
    %jit3A_19 = arith.constant 1 : i32
    %select_n3A_20 = arith.select %eq3A_18, %jit3A_19, %jit3A_17 : i32
    %rem3A_21 = arith.remsi %arg1, %select_n3A_20 : i32
    %ne3A_22 = arith.constant 0 : i32
    %ne3A_23 = arith.cmpi ne, %rem3A_21, %ne3A_22 : i32
    %lt3A = arith.constant 0 : i32
    %lt3A_24 = arith.cmpi slt, %rem3A_21, %lt3A : i32
    %lt3A_25 = arith.constant 0 : i32
    %lt3A_26 = arith.cmpi slt, %select_n3A_20, %lt3A_25 : i32
    %ne3A_27 = arith.xori %lt3A_24, %lt3A_26 : i1
    %and3A_28 = arith.andi %ne3A_27, %ne3A_23 : i1
    %add3A_29 = arith.addi %rem3A_21, %select_n3A_20 : i32
    %select_n3A_30 = arith.select %and3A_28, %add3A_29, %rem3A_21 : i32
    %jit3A_31 = arith.constant 2 : i32
    %eq3A_32 = arith.constant 0 : i32
    %eq3A_33 = arith.cmpi eq, %jit3A_31, %eq3A_32 : i32
    %jit3A_34 = arith.constant 1 : i32
    %select_n3A_35 = arith.select %eq3A_33, %jit3A_34, %jit3A_31 : i32
    %rem3A_36 = arith.remsi %add3A, %select_n3A_35 : i32
    %ne3A_37 = arith.constant 0 : i32
    %ne3A_38 = arith.cmpi ne, %rem3A_36, %ne3A_37 : i32
    %lt3A_39 = arith.constant 0 : i32
    %lt3A_40 = arith.cmpi slt, %rem3A_36, %lt3A_39 : i32
    %lt3A_41 = arith.constant 0 : i32
    %lt3A_42 = arith.cmpi slt, %select_n3A_35, %lt3A_41 : i32
    %ne3A_43 = arith.xori %lt3A_40, %lt3A_42 : i1
    %and3A_44 = arith.andi %ne3A_43, %ne3A_38 : i1
    %add3A_45 = arith.addi %rem3A_36, %select_n3A_35 : i32
    %select_n3A_46 = arith.select %and3A_44, %add3A_45, %rem3A_36 : i32
    %mul3A_47 = arith.constant 262144 : i32
    %mul3A_48 = arith.muli %select_n3A_46, %mul3A_47 : i32
    %mul3A_49 = arith.constant 32768 : i32
    %mul3A_50 = arith.muli %select_n3A_30, %mul3A_49 : i32
    %add3A_51 = arith.addi %mul3A_48, %mul3A_50 : i32
    %lt3A_52 = arith.constant 2 : i32
    %lt3A_53 = arith.cmpi slt, %add3A, %lt3A_52 : i32
    %convert_element_type3A = arith.extui %lt3A_53 : i1 to i32
    %cond3A = arith.constant 0 : i32
    %cond3A_54 = arith.cmpi ne, %convert_element_type3A, %cond3A : i32
    scf.if %cond3A_54 {
      "tpu.region"() ({
        %run_scoped3A = tpu.sem_alloc : memref<!tpu.dma_semaphore, #tpu.memory_space<semaphore_mem>>
        %dma_start3A = tpu.memref_slice %arg2[%add3A_51] : memref<524288xf32, #tpu.memory_space<hbm>> -> memref<32768xf32, #tpu.memory_space<hbm>>
        %dma_start3A_88 = tpu.memref_slice %arg2[%add3A_51] : memref<524288xf32, #tpu.memory_space<hbm>> -> memref<32768xf32, #tpu.memory_space<hbm>>
        tpu.enqueue_dma source(%dma_start3A_88 : memref<32768xf32, #tpu.memory_space<hbm>>) target(%arg8 : memref<32768xf32, #tpu.memory_space<vmem>>) target_semaphore(%run_scoped3A : memref<!tpu.dma_semaphore, #tpu.memory_space<semaphore_mem>>)
        %dma_wait3A = tpu.memref_slice %arg2[%add3A_51] : memref<524288xf32, #tpu.memory_space<hbm>> -> memref<32768xf32, #tpu.memory_space<hbm>>
        %dma_wait3A_89 = tpu.memref_slice %arg2[%add3A_51] : memref<524288xf32, #tpu.memory_space<hbm>> -> memref<32768xf32, #tpu.memory_space<hbm>>
        tpu.wait_dma2 semaphore(%run_scoped3A : memref<!tpu.dma_semaphore, #tpu.memory_space<semaphore_mem>>) src(%dma_wait3A_89 : memref<32768xf32, #tpu.memory_space<hbm>>) dst(%arg8 : memref<32768xf32, #tpu.memory_space<vmem>>)
        tpu.yield
      }) : () -> ()
    } else {
    }
    %ge3A = arith.constant 2 : i32
    %ge3A_55 = arith.cmpi sge, %add3A, %ge3A : i32
    %convert_element_type3A_56 = arith.extui %ge3A_55 : i1 to i32
    %cond3A_57 = arith.constant 0 : i32
    %cond3A_58 = arith.cmpi ne, %convert_element_type3A_56, %cond3A_57 : i32
    scf.if %cond3A_58 {
      "tpu.region"() ({
        %run_scoped3A = tpu.sem_alloc : memref<!tpu.dma_semaphore, #tpu.memory_space<semaphore_mem>>
        %dma_start3A = tpu.memref_slice %arg3[%add3A_51] : memref<524288xf32, #tpu.memory_space<hbm>> -> memref<32768xf32, #tpu.memory_space<hbm>>
        %dma_start3A_88 = tpu.memref_slice %arg3[%add3A_51] : memref<524288xf32, #tpu.memory_space<hbm>> -> memref<32768xf32, #tpu.memory_space<hbm>>
        tpu.enqueue_dma source(%dma_start3A_88 : memref<32768xf32, #tpu.memory_space<hbm>>) target(%arg8 : memref<32768xf32, #tpu.memory_space<vmem>>) target_semaphore(%run_scoped3A : memref<!tpu.dma_semaphore, #tpu.memory_space<semaphore_mem>>)
        %dma_wait3A = tpu.memref_slice %arg3[%add3A_51] : memref<524288xf32, #tpu.memory_space<hbm>> -> memref<32768xf32, #tpu.memory_space<hbm>>
        %dma_wait3A_89 = tpu.memref_slice %arg3[%add3A_51] : memref<524288xf32, #tpu.memory_space<hbm>> -> memref<32768xf32, #tpu.memory_space<hbm>>
        tpu.wait_dma2 semaphore(%run_scoped3A : memref<!tpu.dma_semaphore, #tpu.memory_space<semaphore_mem>>) src(%dma_wait3A_89 : memref<32768xf32, #tpu.memory_space<hbm>>) dst(%arg8 : memref<32768xf32, #tpu.memory_space<vmem>>)
        tpu.yield
      }) : () -> ()
    } else {
    }
    %iota3A = tpu.iota {dimensions = array<i32: 0>} : vector<16xi32>
    %broadcast_in_dim3A = arith.constant 0xFF800000 : f32
    %broadcast_in_dim3A_59 = vector.broadcast %broadcast_in_dim3A : f32 to vector<16xf32>
    %scan3A = arith.constant 0xFF800000 : f32
    %scan3A_60 = arith.constant 0 : i32
    %scan3A_61 = arith.constant 32 : i32
    %scan3A_62 = arith.addi %scan3A_60, %scan3A_61 : i32
    %scan3A_63 = arith.constant 1 : i32
    %scan3A_64 = scf.for %scan3A_88 = %scan3A_60 to %scan3A_62 step %scan3A_63 iter_args(%scan3A_89 = %broadcast_in_dim3A_59) -> (vector<16xf32>)  : i32 {
      %broadcast_in_dim3A_90 = vector.broadcast %scan3A : f32 to vector<16xf32>
      %scan3A_91 = arith.constant 0 : i32
      %scan3A_92 = arith.constant 4 : i32
      %scan3A_93 = arith.addi %scan3A_91, %scan3A_92 : i32
      %scan3A_94 = arith.constant 1 : i32
      %scan3A_95 = scf.for %scan3A_101 = %scan3A_91 to %scan3A_93 step %scan3A_94 iter_args(%scan3A_102 = %broadcast_in_dim3A_90) -> (vector<16xf32>)  : i32 {
        %mul3A_103 = arith.constant 64 : i32
        %mul3A_104 = arith.muli %scan3A_88, %mul3A_103 : i32
        %mul3A_105 = arith.constant 16 : i32
        %mul3A_106 = arith.muli %scan3A_101, %mul3A_105 : i32
        %add3A_107 = arith.addi %mul3A_104, %mul3A_106 : i32
        %add3A_108 = arith.constant 0 : i32
        %add3A_109 = arith.addi %add3A_107, %add3A_108 : i32
        %mul3A_110 = arith.constant 16 : i32
        %mul3A_111 = arith.muli %add3A_109, %mul3A_110 : i32
        %add3A_112 = vector.broadcast %mul3A_111 : i32 to vector<16xi32>
        %add3A_113 = arith.addi %add3A_112, %iota3A : vector<16xi32>
        %gather3A = tpu.vector_load_idx %arg8[%add3A_113] : memref<32768xf32, #tpu.memory_space<vmem>>[vector<16xi32>], vector<16xf32>,
        %max3A_114 = arith.maximumf %scan3A_102, %gather3A : vector<16xf32>
        %mul3A_115 = arith.constant 64 : i32
        %mul3A_116 = arith.muli %scan3A_88, %mul3A_115 : i32
        %mul3A_117 = arith.constant 16 : i32
        %mul3A_118 = arith.muli %scan3A_101, %mul3A_117 : i32
        %add3A_119 = arith.addi %mul3A_116, %mul3A_118 : i32
        %add3A_120 = arith.constant 1 : i32
        %add3A_121 = arith.addi %add3A_119, %add3A_120 : i32
        %mul3A_122 = arith.constant 16 : i32
        %mul3A_123 = arith.muli %add3A_121, %mul3A_122 : i32
        %add3A_124 = vector.broadcast %mul3A_123 : i32 to vector<16xi32>
        %add3A_125 = arith.addi %add3A_124, %iota3A : vector<16xi32>
        %gather3A_126 = tpu.vector_load_idx %arg8[%add3A_125] : memref<32768xf32, #tpu.memory_space<vmem>>[vector<16xi32>], vector<16xf32>,
        %max3A_127 = arith.maximumf %max3A_114, %gather3A_126 : vector<16xf32>
        %mul3A_128 = arith.constant 64 : i32
        %mul3A_129 = arith.muli %scan3A_88, %mul3A_128 : i32
        %mul3A_130 = arith.constant 16 : i32
        %mul3A_131 = arith.muli %scan3A_101, %mul3A_130 : i32
        %add3A_132 = arith.addi %mul3A_129, %mul3A_131 : i32
        %add3A_133 = arith.constant 2 : i32
        %add3A_134 = arith.addi %add3A_132, %add3A_133 : i32
        %mul3A_135 = arith.constant 16 : i32
        %mul3A_136 = arith.muli %add3A_134, %mul3A_135 : i32
        %add3A_137 = vector.broadcast %mul3A_136 : i32 to vector<16xi32>
        %add3A_138 = arith.addi %add3A_137, %iota3A : vector<16xi32>
        %gather3A_139 = tpu.vector_load_idx %arg8[%add3A_138] : memref<32768xf32, #tpu.memory_space<vmem>>[vector<16xi32>], vector<16xf32>,
        %max3A_140 = arith.maximumf %max3A_127, %gather3A_139 : vector<16xf32>
        %mul3A_141 = arith.constant 64 : i32
        %mul3A_142 = arith.muli %scan3A_88, %mul3A_141 : i32
        %mul3A_143 = arith.constant 16 : i32
        %mul3A_144 = arith.muli %scan3A_101, %mul3A_143 : i32
        %add3A_145 = arith.addi %mul3A_142, %mul3A_144 : i32
        %add3A_146 = arith.constant 3 : i32
        %add3A_147 = arith.addi %add3A_145, %add3A_146 : i32
        %mul3A_148 = arith.constant 16 : i32
        %mul3A_149 = arith.muli %add3A_147, %mul3A_148 : i32
        %add3A_150 = vector.broadcast %mul3A_149 : i32 to vector<16xi32>
        %add3A_151 = arith.addi %add3A_150, %iota3A : vector<16xi32>
        %gather3A_152 = tpu.vector_load_idx %arg8[%add3A_151] : memref<32768xf32, #tpu.memory_space<vmem>>[vector<16xi32>], vector<16xf32>,
        %max3A_153 = arith.maximumf %max3A_140, %gather3A_152 : vector<16xf32>
        %mul3A_154 = arith.constant 64 : i32
        %mul3A_155 = arith.muli %scan3A_88, %mul3A_154 : i32
        %mul3A_156 = arith.constant 16 : i32
        %mul3A_157 = arith.muli %scan3A_101, %mul3A_156 : i32
        %add3A_158 = arith.addi %mul3A_155, %mul3A_157 : i32
        %add3A_159 = arith.constant 4 : i32
        %add3A_160 = arith.addi %add3A_158, %add3A_159 : i32
        %mul3A_161 = arith.constant 16 : i32
        %mul3A_162 = arith.muli %add3A_160, %mul3A_161 : i32
        %add3A_163 = vector.broadcast %mul3A_162 : i32 to vector<16xi32>
        %add3A_164 = arith.addi %add3A_163, %iota3A : vector<16xi32>
        %gather3A_165 = tpu.vector_load_idx %arg8[%add3A_164] : memref<32768xf32, #tpu.memory_space<vmem>>[vector<16xi32>], vector<16xf32>,
        %max3A_166 = arith.maximumf %max3A_153, %gather3A_165 : vector<16xf32>
        %mul3A_167 = arith.constant 64 : i32
        %mul3A_168 = arith.muli %scan3A_88, %mul3A_167 : i32
        %mul3A_169 = arith.constant 16 : i32
        %mul3A_170 = arith.muli %scan3A_101, %mul3A_169 : i32
        %add3A_171 = arith.addi %mul3A_168, %mul3A_170 : i32
        %add3A_172 = arith.constant 5 : i32
        %add3A_173 = arith.addi %add3A_171, %add3A_172 : i32
        %mul3A_174 = arith.constant 16 : i32
        %mul3A_175 = arith.muli %add3A_173, %mul3A_174 : i32
        %add3A_176 = vector.broadcast %mul3A_175 : i32 to vector<16xi32>
        %add3A_177 = arith.addi %add3A_176, %iota3A : vector<16xi32>
        %gather3A_178 = tpu.vector_load_idx %arg8[%add3A_177] : memref<32768xf32, #tpu.memory_space<vmem>>[vector<16xi32>], vector<16xf32>,
        %max3A_179 = arith.maximumf %max3A_166, %gather3A_178 : vector<16xf32>
        %mul3A_180 = arith.constant 64 : i32
        %mul3A_181 = arith.muli %scan3A_88, %mul3A_180 : i32
        %mul3A_182 = arith.constant 16 : i32
        %mul3A_183 = arith.muli %scan3A_101, %mul3A_182 : i32
        %add3A_184 = arith.addi %mul3A_181, %mul3A_183 : i32
        %add3A_185 = arith.constant 6 : i32
        %add3A_186 = arith.addi %add3A_184, %add3A_185 : i32
        %mul3A_187 = arith.constant 16 : i32
        %mul3A_188 = arith.muli %add3A_186, %mul3A_187 : i32
        %add3A_189 = vector.broadcast %mul3A_188 : i32 to vector<16xi32>
        %add3A_190 = arith.addi %add3A_189, %iota3A : vector<16xi32>
        %gather3A_191 = tpu.vector_load_idx %arg8[%add3A_190] : memref<32768xf32, #tpu.memory_space<vmem>>[vector<16xi32>], vector<16xf32>,
        %max3A_192 = arith.maximumf %max3A_179, %gather3A_191 : vector<16xf32>
        %mul3A_193 = arith.constant 64 : i32
        %mul3A_194 = arith.muli %scan3A_88, %mul3A_193 : i32
        %mul3A_195 = arith.constant 16 : i32
        %mul3A_196 = arith.muli %scan3A_101, %mul3A_195 : i32
        %add3A_197 = arith.addi %mul3A_194, %mul3A_196 : i32
        %add3A_198 = arith.constant 7 : i32
        %add3A_199 = arith.addi %add3A_197, %add3A_198 : i32
        %mul3A_200 = arith.constant 16 : i32
        %mul3A_201 = arith.muli %add3A_199, %mul3A_200 : i32
        %add3A_202 = vector.broadcast %mul3A_201 : i32 to vector<16xi32>
        %add3A_203 = arith.addi %add3A_202, %iota3A : vector<16xi32>
        %gather3A_204 = tpu.vector_load_idx %arg8[%add3A_203] : memref<32768xf32, #tpu.memory_space<vmem>>[vector<16xi32>], vector<16xf32>,
        %max3A_205 = arith.maximumf %max3A_192, %gather3A_204 : vector<16xf32>
        %mul3A_206 = arith.constant 64 : i32
        %mul3A_207 = arith.muli %scan3A_88, %mul3A_206 : i32
        %mul3A_208 = arith.constant 16 : i32
        %mul3A_209 = arith.muli %scan3A_101, %mul3A_208 : i32
        %add3A_210 = arith.addi %mul3A_207, %mul3A_209 : i32
        %add3A_211 = arith.constant 8 : i32
        %add3A_212 = arith.addi %add3A_210, %add3A_211 : i32
        %mul3A_213 = arith.constant 16 : i32
        %mul3A_214 = arith.muli %add3A_212, %mul3A_213 : i32
        %add3A_215 = vector.broadcast %mul3A_214 : i32 to vector<16xi32>
        %add3A_216 = arith.addi %add3A_215, %iota3A : vector<16xi32>
        %gather3A_217 = tpu.vector_load_idx %arg8[%add3A_216] : memref<32768xf32, #tpu.memory_space<vmem>>[vector<16xi32>], vector<16xf32>,
        %max3A_218 = arith.maximumf %max3A_205, %gather3A_217 : vector<16xf32>
        %mul3A_219 = arith.constant 64 : i32
        %mul3A_220 = arith.muli %scan3A_88, %mul3A_219 : i32
        %mul3A_221 = arith.constant 16 : i32
        %mul3A_222 = arith.muli %scan3A_101, %mul3A_221 : i32
        %add3A_223 = arith.addi %mul3A_220, %mul3A_222 : i32
        %add3A_224 = arith.constant 9 : i32
        %add3A_225 = arith.addi %add3A_223, %add3A_224 : i32
        %mul3A_226 = arith.constant 16 : i32
        %mul3A_227 = arith.muli %add3A_225, %mul3A_226 : i32
        %add3A_228 = vector.broadcast %mul3A_227 : i32 to vector<16xi32>
        %add3A_229 = arith.addi %add3A_228, %iota3A : vector<16xi32>
        %gather3A_230 = tpu.vector_load_idx %arg8[%add3A_229] : memref<32768xf32, #tpu.memory_space<vmem>>[vector<16xi32>], vector<16xf32>,
        %max3A_231 = arith.maximumf %max3A_218, %gather3A_230 : vector<16xf32>
        %mul3A_232 = arith.constant 64 : i32
        %mul3A_233 = arith.muli %scan3A_88, %mul3A_232 : i32
        %mul3A_234 = arith.constant 16 : i32
        %mul3A_235 = arith.muli %scan3A_101, %mul3A_234 : i32
        %add3A_236 = arith.addi %mul3A_233, %mul3A_235 : i32
        %add3A_237 = arith.constant 10 : i32
        %add3A_238 = arith.addi %add3A_236, %add3A_237 : i32
        %mul3A_239 = arith.constant 16 : i32
        %mul3A_240 = arith.muli %add3A_238, %mul3A_239 : i32
        %add3A_241 = vector.broadcast %mul3A_240 : i32 to vector<16xi32>
        %add3A_242 = arith.addi %add3A_241, %iota3A : vector<16xi32>
        %gather3A_243 = tpu.vector_load_idx %arg8[%add3A_242] : memref<32768xf32, #tpu.memory_space<vmem>>[vector<16xi32>], vector<16xf32>,
        %max3A_244 = arith.maximumf %max3A_231, %gather3A_243 : vector<16xf32>
        %mul3A_245 = arith.constant 64 : i32
        %mul3A_246 = arith.muli %scan3A_88, %mul3A_245 : i32
        %mul3A_247 = arith.constant 16 : i32
        %mul3A_248 = arith.muli %scan3A_101, %mul3A_247 : i32
        %add3A_249 = arith.addi %mul3A_246, %mul3A_248 : i32
        %add3A_250 = arith.constant 11 : i32
        %add3A_251 = arith.addi %add3A_249, %add3A_250 : i32
        %mul3A_252 = arith.constant 16 : i32
        %mul3A_253 = arith.muli %add3A_251, %mul3A_252 : i32
        %add3A_254 = vector.broadcast %mul3A_253 : i32 to vector<16xi32>
        %add3A_255 = arith.addi %add3A_254, %iota3A : vector<16xi32>
        %gather3A_256 = tpu.vector_load_idx %arg8[%add3A_255] : memref<32768xf32, #tpu.memory_space<vmem>>[vector<16xi32>], vector<16xf32>,
        %max3A_257 = arith.maximumf %max3A_244, %gather3A_256 : vector<16xf32>
        %mul3A_258 = arith.constant 64 : i32
        %mul3A_259 = arith.muli %scan3A_88, %mul3A_258 : i32
        %mul3A_260 = arith.constant 16 : i32
        %mul3A_261 = arith.muli %scan3A_101, %mul3A_260 : i32
        %add3A_262 = arith.addi %mul3A_259, %mul3A_261 : i32
        %add3A_263 = arith.constant 12 : i32
        %add3A_264 = arith.addi %add3A_262, %add3A_263 : i32
        %mul3A_265 = arith.constant 16 : i32
        %mul3A_266 = arith.muli %add3A_264, %mul3A_265 : i32
        %add3A_267 = vector.broadcast %mul3A_266 : i32 to vector<16xi32>
        %add3A_268 = arith.addi %add3A_267, %iota3A : vector<16xi32>
        %gather3A_269 = tpu.vector_load_idx %arg8[%add3A_268] : memref<32768xf32, #tpu.memory_space<vmem>>[vector<16xi32>], vector<16xf32>,
        %max3A_270 = arith.maximumf %max3A_257, %gather3A_269 : vector<16xf32>
        %mul3A_271 = arith.constant 64 : i32
        %mul3A_272 = arith.muli %scan3A_88, %mul3A_271 : i32
        %mul3A_273 = arith.constant 16 : i32
        %mul3A_274 = arith.muli %scan3A_101, %mul3A_273 : i32
        %add3A_275 = arith.addi %mul3A_272, %mul3A_274 : i32
        %add3A_276 = arith.constant 13 : i32
        %add3A_277 = arith.addi %add3A_275, %add3A_276 : i32
        %mul3A_278 = arith.constant 16 : i32
        %mul3A_279 = arith.muli %add3A_277, %mul3A_278 : i32
        %add3A_280 = vector.broadcast %mul3A_279 : i32 to vector<16xi32>
        %add3A_281 = arith.addi %add3A_280, %iota3A : vector<16xi32>
        %gather3A_282 = tpu.vector_load_idx %arg8[%add3A_281] : memref<32768xf32, #tpu.memory_space<vmem>>[vector<16xi32>], vector<16xf32>,
        %max3A_283 = arith.maximumf %max3A_270, %gather3A_282 : vector<16xf32>
        %mul3A_284 = arith.constant 64 : i32
        %mul3A_285 = arith.muli %scan3A_88, %mul3A_284 : i32
        %mul3A_286 = arith.constant 16 : i32
        %mul3A_287 = arith.muli %scan3A_101, %mul3A_286 : i32
        %add3A_288 = arith.addi %mul3A_285, %mul3A_287 : i32
        %add3A_289 = arith.constant 14 : i32
        %add3A_290 = arith.addi %add3A_288, %add3A_289 : i32
        %mul3A_291 = arith.constant 16 : i32
        %mul3A_292 = arith.muli %add3A_290, %mul3A_291 : i32
        %add3A_293 = vector.broadcast %mul3A_292 : i32 to vector<16xi32>
        %add3A_294 = arith.addi %add3A_293, %iota3A : vector<16xi32>
        %gather3A_295 = tpu.vector_load_idx %arg8[%add3A_294] : memref<32768xf32, #tpu.memory_space<vmem>>[vector<16xi32>], vector<16xf32>,
        %max3A_296 = arith.maximumf %max3A_283, %gather3A_295 : vector<16xf32>
        %mul3A_297 = arith.constant 64 : i32
        %mul3A_298 = arith.muli %scan3A_88, %mul3A_297 : i32
        %mul3A_299 = arith.constant 16 : i32
        %mul3A_300 = arith.muli %scan3A_101, %mul3A_299 : i32
        %add3A_301 = arith.addi %mul3A_298, %mul3A_300 : i32
        %add3A_302 = arith.constant 15 : i32
        %add3A_303 = arith.addi %add3A_301, %add3A_302 : i32
        %mul3A_304 = arith.constant 16 : i32
        %mul3A_305 = arith.muli %add3A_303, %mul3A_304 : i32
        %add3A_306 = vector.broadcast %mul3A_305 : i32 to vector<16xi32>
        %add3A_307 = arith.addi %add3A_306, %iota3A : vector<16xi32>
        %gather3A_308 = tpu.vector_load_idx %arg8[%add3A_307] : memref<32768xf32, #tpu.memory_space<vmem>>[vector<16xi32>], vector<16xf32>,
        %max3A_309 = arith.maximumf %max3A_296, %gather3A_308 : vector<16xf32>
        scf.yield %max3A_309 : vector<16xf32>
      }
      %scan3A_96 = arith.constant 4 : i32
      %mul3A_97 = arith.constant 16 : i32
      %mul3A_98 = arith.muli %scan3A_88, %mul3A_97 : i32
      %add3A_99 = vector.broadcast %mul3A_98 : i32 to vector<16xi32>
      %add3A_100 = arith.addi %add3A_99, %iota3A : vector<16xi32>
      tpu.vector_store_idx %arg9[%add3A_100], %scan3A_95 : memref<512xf32, #tpu.memory_space<vmem>>[vector<16xi32>], vector<16xf32>,
      %max3A = arith.maximumf %scan3A_89, %scan3A_95 : vector<16xf32>
      scf.yield %max3A : vector<16xf32>
    }
    %scan3A_65 = arith.constant 32 : i32
    %scan3A_66 = arith.constant 1073741824 : i32
    %scan3A_67 = arith.constant 0xFF800000 : f32
    %scan3A_68 = arith.constant 0 : i32
    %scan3A_69 = arith.constant 32 : i32
    %scan3A_70 = arith.addi %scan3A_68, %scan3A_69 : i32
    %scan3A_71 = arith.constant 1 : i32
    %scan3A_72 = scf.for %scan3A_88 = %scan3A_68 to %scan3A_70 step %scan3A_71 iter_args(%scan3A_89 = %scan3A_64) -> (vector<16xf32>)  : i32 {
      %reduce_max3A = arith.constant true
      %reduce_max3A_90 = vector.broadcast %reduce_max3A : i1 to vector<16xi1>
      %reduce_max3A_91 = tpu.scan <max>, %scan3A_89 masked %reduce_max3A_90 : vector<16xf32>, vector<16xi1> -> vector<16xf32>
      %reduce_max3A_92 = vector.extract %reduce_max3A_91[15] : f32 from vector<16xf32>
      %eq3A_93 = vector.broadcast %reduce_max3A_92 : f32 to vector<16xf32>
      %eq3A_94 = arith.cmpf oeq, %scan3A_89, %eq3A_93 : vector<16xf32>
      %all_reduce_ffs3A = tpu.all_reduce %eq3A_94 {dim = 0 : i64, kind = #tpu.reduction_kind<find_first_set>} : vector<16xi1> -> vector<16xi32>
      %reduce_max3A_95 = arith.constant true
      %reduce_max3A_96 = vector.broadcast %reduce_max3A_95 : i1 to vector<16xi1>
      %reduce_max3A_97 = arith.constant -2147483648 : i32
      %reduce_max3A_98 = vector.broadcast %reduce_max3A_97 : i32 to vector<16xi32>
      %reduce_max3A_99 = arith.xori %all_reduce_ffs3A, %reduce_max3A_98 : vector<16xi32>
      %reduce_max3A_100 = tpu.scan <max>, %reduce_max3A_99 masked %reduce_max3A_96 : vector<16xi32>, vector<16xi1> -> vector<16xi32>
      %reduce_max3A_101 = arith.xori %reduce_max3A_100, %reduce_max3A_98 : vector<16xi32>
      %reduce_max3A_102 = vector.extract %reduce_max3A_101[15] : i32 from vector<16xi32>
      %mul3A_103 = arith.constant 16 : i32
      %mul3A_104 = vector.broadcast %mul3A_103 : i32 to vector<16xi32>
      %mul3A_105 = arith.muli %mul3A_104, %iota3A : vector<16xi32>
      %add3A_106 = vector.broadcast %reduce_max3A_102 : i32 to vector<16xi32>
      %add3A_107 = arith.addi %add3A_106, %mul3A_105 : vector<16xi32>
      %gather3A = tpu.vector_load_idx %arg9[%add3A_107] : memref<512xf32, #tpu.memory_space<vmem>>[vector<16xi32>], vector<16xf32>,
      %add3A_108 = arith.constant 16 : i32
      %add3A_109 = vector.broadcast %add3A_108 : i32 to vector<16xi32>
      %add3A_110 = arith.addi %iota3A, %add3A_109 : vector<16xi32>
      %mul3A_111 = arith.constant 16 : i32
      %mul3A_112 = vector.broadcast %mul3A_111 : i32 to vector<16xi32>
      %mul3A_113 = arith.muli %mul3A_112, %add3A_110 : vector<16xi32>
      %add3A_114 = vector.broadcast %reduce_max3A_102 : i32 to vector<16xi32>
      %add3A_115 = arith.addi %add3A_114, %mul3A_113 : vector<16xi32>
      %gather3A_116 = tpu.vector_load_idx %arg9[%add3A_115] : memref<512xf32, #tpu.memory_space<vmem>>[vector<16xi32>], vector<16xf32>,
      %eq3A_117 = vector.broadcast %reduce_max3A_92 : f32 to vector<16xf32>
      %eq3A_118 = arith.cmpf oeq, %gather3A, %eq3A_117 : vector<16xf32>
      %broadcast_in_dim3A_119 = vector.broadcast %scan3A_66 : i32 to vector<16xi32>
      %select_n3A_120 = arith.select %eq3A_118, %iota3A, %broadcast_in_dim3A_119 : vector<16xi1>, vector<16xi32>
      %eq3A_121 = vector.broadcast %reduce_max3A_92 : f32 to vector<16xf32>
      %eq3A_122 = arith.cmpf oeq, %gather3A_116, %eq3A_121 : vector<16xf32>
      %add3A_123 = arith.constant 16 : i32
      %add3A_124 = vector.broadcast %add3A_123 : i32 to vector<16xi32>
      %add3A_125 = arith.addi %iota3A, %add3A_124 : vector<16xi32>
      %broadcast_in_dim3A_126 = vector.broadcast %scan3A_66 : i32 to vector<16xi32>
      %select_n3A_127 = arith.select %eq3A_122, %add3A_125, %broadcast_in_dim3A_126 : vector<16xi1>, vector<16xi32>
      %min3A = arith.minsi %select_n3A_120, %select_n3A_127 : vector<16xi32>
      %reduce_min3A = arith.constant true
      %reduce_min3A_128 = vector.broadcast %reduce_min3A : i1 to vector<16xi1>
      %reduce_min3A_129 = arith.constant -2147483648 : i32
      %reduce_min3A_130 = vector.broadcast %reduce_min3A_129 : i32 to vector<16xi32>
      %reduce_min3A_131 = arith.xori %min3A, %reduce_min3A_130 : vector<16xi32>
      %reduce_min3A_132 = tpu.scan <min>, %reduce_min3A_131 masked %reduce_min3A_128 : vector<16xi32>, vector<16xi1> -> vector<16xi32>
      %reduce_min3A_133 = arith.xori %reduce_min3A_132, %reduce_min3A_130 : vector<16xi32>
      %reduce_min3A_134 = vector.extract %reduce_min3A_133[15] : i32 from vector<16xi32>
      %mul3A_135 = arith.constant 64 : i32
      %mul3A_136 = arith.muli %reduce_min3A_134, %mul3A_135 : i32
      %add3A_137 = arith.constant 0 : i32
      %add3A_138 = arith.addi %mul3A_136, %add3A_137 : i32
      %add3A_139 = vector.broadcast %add3A_138 : i32 to vector<16xi32>
      %add3A_140 = arith.addi %add3A_139, %iota3A : vector<16xi32>
      %mul3A_141 = arith.constant 16 : i32
      %mul3A_142 = vector.broadcast %mul3A_141 : i32 to vector<16xi32>
      %mul3A_143 = arith.muli %add3A_140, %mul3A_142 : vector<16xi32>
      %add3A_144 = vector.broadcast %reduce_max3A_102 : i32 to vector<16xi32>
      %add3A_145 = arith.addi %mul3A_143, %add3A_144 : vector<16xi32>
      %gather3A_146 = tpu.vector_load_idx %arg8[%add3A_145] : memref<32768xf32, #tpu.memory_space<vmem>>[vector<16xi32>], vector<16xf32>,
      %eq3A_147 = vector.broadcast %reduce_max3A_92 : f32 to vector<16xf32>
      %eq3A_148 = arith.cmpf oeq, %gather3A_146, %eq3A_147 : vector<16xf32>
      %add3A_149 = arith.constant 0 : i32
      %add3A_150 = arith.addi %mul3A_136, %add3A_149 : i32
      %add3A_151 = vector.broadcast %add3A_150 : i32 to vector<16xi32>
      %add3A_152 = arith.addi %add3A_151, %iota3A : vector<16xi32>
      %broadcast_in_dim3A_153 = vector.broadcast %scan3A_66 : i32 to vector<16xi32>
      %select_n3A_154 = arith.select %eq3A_148, %add3A_152, %broadcast_in_dim3A_153 : vector<16xi1>, vector<16xi32>
      %add3A_155 = arith.constant 16 : i32
      %add3A_156 = arith.addi %mul3A_136, %add3A_155 : i32
      %add3A_157 = vector.broadcast %add3A_156 : i32 to vector<16xi32>
      %add3A_158 = arith.addi %add3A_157, %iota3A : vector<16xi32>
      %mul3A_159 = arith.constant 16 : i32
      %mul3A_160 = vector.broadcast %mul3A_159 : i32 to vector<16xi32>
      %mul3A_161 = arith.muli %add3A_158, %mul3A_160 : vector<16xi32>
      %add3A_162 = vector.broadcast %reduce_max3A_102 : i32 to vector<16xi32>
      %add3A_163 = arith.addi %mul3A_161, %add3A_162 : vector<16xi32>
      %gather3A_164 = tpu.vector_load_idx %arg8[%add3A_163] : memref<32768xf32, #tpu.memory_space<vmem>>[vector<16xi32>], vector<16xf32>,
      %eq3A_165 = vector.broadcast %reduce_max3A_92 : f32 to vector<16xf32>
      %eq3A_166 = arith.cmpf oeq, %gather3A_164, %eq3A_165 : vector<16xf32>
      %add3A_167 = arith.constant 16 : i32
      %add3A_168 = arith.addi %mul3A_136, %add3A_167 : i32
      %add3A_169 = vector.broadcast %add3A_168 : i32 to vector<16xi32>
      %add3A_170 = arith.addi %add3A_169, %iota3A : vector<16xi32>
      %broadcast_in_dim3A_171 = vector.broadcast %scan3A_66 : i32 to vector<16xi32>
      %select_n3A_172 = arith.select %eq3A_166, %add3A_170, %broadcast_in_dim3A_171 : vector<16xi1>, vector<16xi32>
      %min3A_173 = arith.minsi %select_n3A_154, %select_n3A_172 : vector<16xi32>
      %add3A_174 = arith.constant 32 : i32
      %add3A_175 = arith.addi %mul3A_136, %add3A_174 : i32
      %add3A_176 = vector.broadcast %add3A_175 : i32 to vector<16xi32>
      %add3A_177 = arith.addi %add3A_176, %iota3A : vector<16xi32>
      %mul3A_178 = arith.constant 16 : i32
      %mul3A_179 = vector.broadcast %mul3A_178 : i32 to vector<16xi32>
      %mul3A_180 = arith.muli %add3A_177, %mul3A_179 : vector<16xi32>
      %add3A_181 = vector.broadcast %reduce_max3A_102 : i32 to vector<16xi32>
      %add3A_182 = arith.addi %mul3A_180, %add3A_181 : vector<16xi32>
      %gather3A_183 = tpu.vector_load_idx %arg8[%add3A_182] : memref<32768xf32, #tpu.memory_space<vmem>>[vector<16xi32>], vector<16xf32>,
      %eq3A_184 = vector.broadcast %reduce_max3A_92 : f32 to vector<16xf32>
      %eq3A_185 = arith.cmpf oeq, %gather3A_183, %eq3A_184 : vector<16xf32>
      %add3A_186 = arith.constant 32 : i32
      %add3A_187 = arith.addi %mul3A_136, %add3A_186 : i32
      %add3A_188 = vector.broadcast %add3A_187 : i32 to vector<16xi32>
      %add3A_189 = arith.addi %add3A_188, %iota3A : vector<16xi32>
      %broadcast_in_dim3A_190 = vector.broadcast %scan3A_66 : i32 to vector<16xi32>
      %select_n3A_191 = arith.select %eq3A_185, %add3A_189, %broadcast_in_dim3A_190 : vector<16xi1>, vector<16xi32>
      %min3A_192 = arith.minsi %min3A_173, %select_n3A_191 : vector<16xi32>
      %add3A_193 = arith.constant 48 : i32
      %add3A_194 = arith.addi %mul3A_136, %add3A_193 : i32
      %add3A_195 = vector.broadcast %add3A_194 : i32 to vector<16xi32>
      %add3A_196 = arith.addi %add3A_195, %iota3A : vector<16xi32>
      %mul3A_197 = arith.constant 16 : i32
      %mul3A_198 = vector.broadcast %mul3A_197 : i32 to vector<16xi32>
      %mul3A_199 = arith.muli %add3A_196, %mul3A_198 : vector<16xi32>
      %add3A_200 = vector.broadcast %reduce_max3A_102 : i32 to vector<16xi32>
      %add3A_201 = arith.addi %mul3A_199, %add3A_200 : vector<16xi32>
      %gather3A_202 = tpu.vector_load_idx %arg8[%add3A_201] : memref<32768xf32, #tpu.memory_space<vmem>>[vector<16xi32>], vector<16xf32>,
      %eq3A_203 = vector.broadcast %reduce_max3A_92 : f32 to vector<16xf32>
      %eq3A_204 = arith.cmpf oeq, %gather3A_202, %eq3A_203 : vector<16xf32>
      %add3A_205 = arith.constant 48 : i32
      %add3A_206 = arith.addi %mul3A_136, %add3A_205 : i32
      %add3A_207 = vector.broadcast %add3A_206 : i32 to vector<16xi32>
      %add3A_208 = arith.addi %add3A_207, %iota3A : vector<16xi32>
      %broadcast_in_dim3A_209 = vector.broadcast %scan3A_66 : i32 to vector<16xi32>
      %select_n3A_210 = arith.select %eq3A_204, %add3A_208, %broadcast_in_dim3A_209 : vector<16xi1>, vector<16xi32>
      %min3A_211 = arith.minsi %min3A_192, %select_n3A_210 : vector<16xi32>
      %reduce_min3A_212 = arith.constant true
      %reduce_min3A_213 = vector.broadcast %reduce_min3A_212 : i1 to vector<16xi1>
      %reduce_min3A_214 = arith.constant -2147483648 : i32
      %reduce_min3A_215 = vector.broadcast %reduce_min3A_214 : i32 to vector<16xi32>
      %reduce_min3A_216 = arith.xori %min3A_211, %reduce_min3A_215 : vector<16xi32>
      %reduce_min3A_217 = tpu.scan <min>, %reduce_min3A_216 masked %reduce_min3A_213 : vector<16xi32>, vector<16xi1> -> vector<16xi32>
      %reduce_min3A_218 = arith.xori %reduce_min3A_217, %reduce_min3A_215 : vector<16xi32>
      %reduce_min3A_219 = vector.extract %reduce_min3A_218[15] : i32 from vector<16xi32>
      %mul3A_220 = arith.constant 16 : i32
      %mul3A_221 = arith.muli %reduce_min3A_219, %mul3A_220 : i32
      %add3A_222 = arith.addi %mul3A_221, %reduce_max3A_102 : i32
      %mul3A_223 = arith.constant 0 : i32
      %mul3A_224 = vector.broadcast %mul3A_223 : i32 to vector<16xi32>
      %mul3A_225 = arith.muli %iota3A, %mul3A_224 : vector<16xi32>
      %add3A_226 = vector.broadcast %add3A_222 : i32 to vector<16xi32>
      %add3A_227 = arith.addi %add3A_226, %mul3A_225 : vector<16xi32>
      %broadcast_in_dim3A_228 = vector.broadcast %scan3A_67 : f32 to vector<16xf32>
      %eq3A_229 = arith.constant 0 : i32
      %eq3A_230 = vector.broadcast %eq3A_229 : i32 to vector<16xi32>
      %eq3A_231 = arith.cmpi eq, %iota3A, %eq3A_230 : vector<16xi32>
      tpu.vector_store_idx %arg8[%add3A_227], %broadcast_in_dim3A_228 masked %eq3A_231 : memref<32768xf32, #tpu.memory_space<vmem>>[vector<16xi32>], vector<16xf32>, vector<16xi1>
      %add3A_232 = arith.constant 0 : i32
      %add3A_233 = arith.addi %mul3A_136, %add3A_232 : i32
      %add3A_234 = vector.broadcast %add3A_233 : i32 to vector<16xi32>
      %add3A_235 = arith.addi %add3A_234, %iota3A : vector<16xi32>
      %eq3A_236 = vector.broadcast %reduce_min3A_219 : i32 to vector<16xi32>
      %eq3A_237 = arith.cmpi eq, %add3A_235, %eq3A_236 : vector<16xi32>
      %broadcast_in_dim3A_238 = vector.broadcast %scan3A_67 : f32 to vector<16xf32>
      %select_n3A_239 = arith.select %eq3A_237, %broadcast_in_dim3A_238, %gather3A_146 : vector<16xi1>, vector<16xf32>
      %add3A_240 = arith.constant 16 : i32
      %add3A_241 = arith.addi %mul3A_136, %add3A_240 : i32
      %add3A_242 = vector.broadcast %add3A_241 : i32 to vector<16xi32>
      %add3A_243 = arith.addi %add3A_242, %iota3A : vector<16xi32>
      %eq3A_244 = vector.broadcast %reduce_min3A_219 : i32 to vector<16xi32>
      %eq3A_245 = arith.cmpi eq, %add3A_243, %eq3A_244 : vector<16xi32>
      %broadcast_in_dim3A_246 = vector.broadcast %scan3A_67 : f32 to vector<16xf32>
      %select_n3A_247 = arith.select %eq3A_245, %broadcast_in_dim3A_246, %gather3A_164 : vector<16xi1>, vector<16xf32>
      %max3A = arith.maximumf %select_n3A_239, %select_n3A_247 : vector<16xf32>
      %add3A_248 = arith.constant 32 : i32
      %add3A_249 = arith.addi %mul3A_136, %add3A_248 : i32
      %add3A_250 = vector.broadcast %add3A_249 : i32 to vector<16xi32>
      %add3A_251 = arith.addi %add3A_250, %iota3A : vector<16xi32>
      %eq3A_252 = vector.broadcast %reduce_min3A_219 : i32 to vector<16xi32>
      %eq3A_253 = arith.cmpi eq, %add3A_251, %eq3A_252 : vector<16xi32>
      %broadcast_in_dim3A_254 = vector.broadcast %scan3A_67 : f32 to vector<16xf32>
      %select_n3A_255 = arith.select %eq3A_253, %broadcast_in_dim3A_254, %gather3A_183 : vector<16xi1>, vector<16xf32>
      %max3A_256 = arith.maximumf %max3A, %select_n3A_255 : vector<16xf32>
      %add3A_257 = arith.constant 48 : i32
      %add3A_258 = arith.addi %mul3A_136, %add3A_257 : i32
      %add3A_259 = vector.broadcast %add3A_258 : i32 to vector<16xi32>
      %add3A_260 = arith.addi %add3A_259, %iota3A : vector<16xi32>
      %eq3A_261 = vector.broadcast %reduce_min3A_219 : i32 to vector<16xi32>
      %eq3A_262 = arith.cmpi eq, %add3A_260, %eq3A_261 : vector<16xi32>
      %broadcast_in_dim3A_263 = vector.broadcast %scan3A_67 : f32 to vector<16xf32>
      %select_n3A_264 = arith.select %eq3A_262, %broadcast_in_dim3A_263, %gather3A_202 : vector<16xi1>, vector<16xf32>
      %max3A_265 = arith.maximumf %max3A_256, %select_n3A_264 : vector<16xf32>
      %reduce_max3A_266 = arith.constant true
      %reduce_max3A_267 = vector.broadcast %reduce_max3A_266 : i1 to vector<16xi1>
      %reduce_max3A_268 = tpu.scan <max>, %max3A_265 masked %reduce_max3A_267 : vector<16xf32>, vector<16xi1> -> vector<16xf32>
      %reduce_max3A_269 = vector.extract %reduce_max3A_268[15] : f32 from vector<16xf32>
      %mul3A_270 = arith.constant 16 : i32
      %mul3A_271 = arith.muli %reduce_min3A_134, %mul3A_270 : i32
      %add3A_272 = arith.addi %mul3A_271, %reduce_max3A_102 : i32
      %mul3A_273 = arith.constant 0 : i32
      %mul3A_274 = vector.broadcast %mul3A_273 : i32 to vector<16xi32>
      %mul3A_275 = arith.muli %iota3A, %mul3A_274 : vector<16xi32>
      %add3A_276 = vector.broadcast %add3A_272 : i32 to vector<16xi32>
      %add3A_277 = arith.addi %add3A_276, %mul3A_275 : vector<16xi32>
      %broadcast_in_dim3A_278 = vector.broadcast %reduce_max3A_269 : f32 to vector<16xf32>
      %eq3A_279 = arith.constant 0 : i32
      %eq3A_280 = vector.broadcast %eq3A_279 : i32 to vector<16xi32>
      %eq3A_281 = arith.cmpi eq, %iota3A, %eq3A_280 : vector<16xi32>
      tpu.vector_store_idx %arg9[%add3A_277], %broadcast_in_dim3A_278 masked %eq3A_281 : memref<512xf32, #tpu.memory_space<vmem>>[vector<16xi32>], vector<16xf32>, vector<16xi1>
      %eq3A_282 = vector.broadcast %reduce_min3A_134 : i32 to vector<16xi32>
      %eq3A_283 = arith.cmpi eq, %iota3A, %eq3A_282 : vector<16xi32>
      %broadcast_in_dim3A_284 = vector.broadcast %reduce_max3A_269 : f32 to vector<16xf32>
      %select_n3A_285 = arith.select %eq3A_283, %broadcast_in_dim3A_284, %gather3A : vector<16xi1>, vector<16xf32>
      %add3A_286 = arith.constant 16 : i32
      %add3A_287 = vector.broadcast %add3A_286 : i32 to vector<16xi32>
      %add3A_288 = arith.addi %iota3A, %add3A_287 : vector<16xi32>
      %eq3A_289 = vector.broadcast %reduce_min3A_134 : i32 to vector<16xi32>
      %eq3A_290 = arith.cmpi eq, %add3A_288, %eq3A_289 : vector<16xi32>
      %broadcast_in_dim3A_291 = vector.broadcast %reduce_max3A_269 : f32 to vector<16xf32>
      %select_n3A_292 = arith.select %eq3A_290, %broadcast_in_dim3A_291, %gather3A_116 : vector<16xi1>, vector<16xf32>
      %max3A_293 = arith.maximumf %select_n3A_285, %select_n3A_292 : vector<16xf32>
      %reduce_max3A_294 = arith.constant true
      %reduce_max3A_295 = vector.broadcast %reduce_max3A_294 : i1 to vector<16xi1>
      %reduce_max3A_296 = tpu.scan <max>, %max3A_293 masked %reduce_max3A_295 : vector<16xf32>, vector<16xi1> -> vector<16xf32>
      %reduce_max3A_297 = vector.extract %reduce_max3A_296[15] : f32 from vector<16xf32>
      %eq3A_298 = vector.broadcast %reduce_max3A_102 : i32 to vector<16xi32>
      %eq3A_299 = arith.cmpi eq, %iota3A, %eq3A_298 : vector<16xi32>
      %broadcast_in_dim3A_300 = vector.broadcast %reduce_max3A_297 : f32 to vector<16xf32>
      %select_n3A_301 = arith.select %eq3A_299, %broadcast_in_dim3A_300, %scan3A_89 : vector<16xi1>, vector<16xf32>
      %mul3A_302 = arith.constant 0 : i32
      %mul3A_303 = vector.broadcast %mul3A_302 : i32 to vector<16xi32>
      %mul3A_304 = arith.muli %iota3A, %mul3A_303 : vector<16xi32>
      %add3A_305 = vector.broadcast %scan3A_88 : i32 to vector<16xi32>
      %add3A_306 = arith.addi %add3A_305, %mul3A_304 : vector<16xi32>
      %broadcast_in_dim3A_307 = vector.broadcast %reduce_max3A_92 : f32 to vector<16xf32>
      %eq3A_308 = arith.constant 0 : i32
      %eq3A_309 = vector.broadcast %eq3A_308 : i32 to vector<16xi32>
      %eq3A_310 = arith.cmpi eq, %iota3A, %eq3A_309 : vector<16xi32>
      tpu.vector_store_idx %arg10[%add3A_306], %broadcast_in_dim3A_307 masked %eq3A_310 : memref<32xf32, #tpu.memory_space<vmem>>[vector<16xi32>], vector<16xf32>, vector<16xi1>
      %mul3A_311 = arith.constant 0 : i32
      %mul3A_312 = vector.broadcast %mul3A_311 : i32 to vector<16xi32>
      %mul3A_313 = arith.muli %iota3A, %mul3A_312 : vector<16xi32>
      %add3A_314 = vector.broadcast %scan3A_88 : i32 to vector<16xi32>
      %add3A_315 = arith.addi %add3A_314, %mul3A_313 : vector<16xi32>
      %mul3A_316 = arith.constant 32768 : i32
      %mul3A_317 = arith.muli %select_n3A_30, %mul3A_316 : i32
      %add3A_318 = arith.addi %mul3A_317, %add3A_222 : i32
      %broadcast_in_dim3A_319 = vector.broadcast %add3A_318 : i32 to vector<16xi32>
      %eq3A_320 = arith.constant 0 : i32
      %eq3A_321 = vector.broadcast %eq3A_320 : i32 to vector<16xi32>
      %eq3A_322 = arith.cmpi eq, %iota3A, %eq3A_321 : vector<16xi32>
      tpu.vector_store_idx %arg11[%add3A_315], %broadcast_in_dim3A_319 masked %eq3A_322 : memref<32xi32, #tpu.memory_space<vmem>>[vector<16xi32>], vector<16xi32>, vector<16xi1>
      scf.yield %select_n3A_301 : vector<16xf32>
    }
    %scan3A_73 = arith.constant 32 : i32
    %mul3A_74 = arith.constant 16 : i32
    %mul3A_75 = arith.muli %arg0, %mul3A_74 : i32
    %add3A_76 = arith.addi %mul3A_75, %arg1 : i32
    %mul3A_77 = arith.constant 32 : i32
    %mul3A_78 = arith.muli %add3A_76, %mul3A_77 : i32
    "tpu.region"() ({
      %run_scoped3A = tpu.sem_alloc : memref<!tpu.dma_semaphore, #tpu.memory_space<semaphore_mem>>
      %dma_start3A = tpu.memref_slice %arg6[%mul3A_78] : memref<1024xf32, #tpu.memory_space<hbm>> -> memref<32xf32, #tpu.memory_space<hbm>>
      %dma_start3A_88 = tpu.memref_slice %arg6[%mul3A_78] : memref<1024xf32, #tpu.memory_space<hbm>> -> memref<32xf32, #tpu.memory_space<hbm>>
      tpu.enqueue_dma source(%arg10 : memref<32xf32, #tpu.memory_space<vmem>>) target(%dma_start3A_88 : memref<32xf32, #tpu.memory_space<hbm>>) target_semaphore(%run_scoped3A : memref<!tpu.dma_semaphore, #tpu.memory_space<semaphore_mem>>)
      %dma_wait3A = tpu.memref_slice %arg6[%mul3A_78] : memref<1024xf32, #tpu.memory_space<hbm>> -> memref<32xf32, #tpu.memory_space<hbm>>
      %dma_wait3A_89 = tpu.memref_slice %arg6[%mul3A_78] : memref<1024xf32, #tpu.memory_space<hbm>> -> memref<32xf32, #tpu.memory_space<hbm>>
      tpu.wait_dma2 semaphore(%run_scoped3A : memref<!tpu.dma_semaphore, #tpu.memory_space<semaphore_mem>>) src(%arg10 : memref<32xf32, #tpu.memory_space<vmem>>) dst(%dma_wait3A_89 : memref<32xf32, #tpu.memory_space<hbm>>)
      tpu.yield
    }) : () -> ()
    %mul3A_79 = arith.constant 32 : i32
    %mul3A_80 = arith.muli %add3A_76, %mul3A_79 : i32
    "tpu.region"() ({
      %run_scoped3A = tpu.sem_alloc : memref<!tpu.dma_semaphore, #tpu.memory_space<semaphore_mem>>
      %dma_start3A = tpu.memref_slice %arg7[%mul3A_80] : memref<1024xi32, #tpu.memory_space<hbm>> -> memref<32xi32, #tpu.memory_space<hbm>>
      %dma_start3A_88 = tpu.memref_slice %arg7[%mul3A_80] : memref<1024xi32, #tpu.memory_space<hbm>> -> memref<32xi32, #tpu.memory_space<hbm>>
      tpu.enqueue_dma source(%arg11 : memref<32xi32, #tpu.memory_space<vmem>>) target(%dma_start3A_88 : memref<32xi32, #tpu.memory_space<hbm>>) target_semaphore(%run_scoped3A : memref<!tpu.dma_semaphore, #tpu.memory_space<semaphore_mem>>)
      %dma_wait3A = tpu.memref_slice %arg7[%mul3A_80] : memref<1024xi32, #tpu.memory_space<hbm>> -> memref<32xi32, #tpu.memory_space<hbm>>
      %dma_wait3A_89 = tpu.memref_slice %arg7[%mul3A_80] : memref<1024xi32, #tpu.memory_space<hbm>> -> memref<32xi32, #tpu.memory_space<hbm>>
      tpu.wait_dma2 semaphore(%run_scoped3A : memref<!tpu.dma_semaphore, #tpu.memory_space<semaphore_mem>>) src(%arg11 : memref<32xi32, #tpu.memory_space<vmem>>) dst(%dma_wait3A_89 : memref<32xi32, #tpu.memory_space<hbm>>)
      tpu.yield
    }) : () -> ()
    %barrier3A = arith.constant 0 : index
    tpu.barrier barrier_id(%barrier3A)
    %eq3A_81 = arith.constant 0 : i32
    %eq3A_82 = arith.cmpi eq, %select_n3A_30, %eq3A_81 : i32
    %convert_element_type3A_83 = arith.extui %eq3A_82 : i1 to i32
    %cond3A_84 = arith.constant 0xFF800000 : f32
    %cond3A_85 = arith.constant 1073741824 : i32
    %cond3A_86 = arith.constant 0 : i32
    %cond3A_87 = arith.cmpi ne, %convert_element_type3A_83, %cond3A_86 : i32
    scf.if %cond3A_87 {
      %add3A_88 = arith.constant 0 : i32
      %add3A_89 = arith.addi %add3A_76, %add3A_88 : i32
      %mul3A_90 = arith.constant 32 : i32
      %mul3A_91 = arith.muli %add3A_89, %mul3A_90 : i32
      "tpu.region"() ({
        %run_scoped3A = tpu.sem_alloc : memref<!tpu.dma_semaphore, #tpu.memory_space<semaphore_mem>>
        %dma_start3A = arith.constant 0 : i32
        %dma_start3A_176 = tpu.memref_slice %arg12[%dma_start3A] : memref<256xf32, #tpu.memory_space<vmem>> -> memref<32xf32, #tpu.memory_space<vmem>>
        %dma_start3A_177 = tpu.memref_slice %arg6[%mul3A_91] : memref<1024xf32, #tpu.memory_space<hbm>> -> memref<32xf32, #tpu.memory_space<hbm>>
        %dma_start3A_178 = arith.constant 0 : i32
        %dma_start3A_179 = tpu.memref_slice %arg12[%dma_start3A_178] : memref<256xf32, #tpu.memory_space<vmem>> -> memref<32xf32, #tpu.memory_space<vmem>>
        %dma_start3A_180 = tpu.memref_slice %arg6[%mul3A_91] : memref<1024xf32, #tpu.memory_space<hbm>> -> memref<32xf32, #tpu.memory_space<hbm>>
        tpu.enqueue_dma source(%dma_start3A_180 : memref<32xf32, #tpu.memory_space<hbm>>) target(%dma_start3A_179 : memref<32xf32, #tpu.memory_space<vmem>>) target_semaphore(%run_scoped3A : memref<!tpu.dma_semaphore, #tpu.memory_space<semaphore_mem>>)
        %dma_wait3A = arith.constant 0 : i32
        %dma_wait3A_181 = tpu.memref_slice %arg12[%dma_wait3A] : memref<256xf32, #tpu.memory_space<vmem>> -> memref<32xf32, #tpu.memory_space<vmem>>
        %dma_wait3A_182 = tpu.memref_slice %arg6[%mul3A_91] : memref<1024xf32, #tpu.memory_space<hbm>> -> memref<32xf32, #tpu.memory_space<hbm>>
        %dma_wait3A_183 = arith.constant 0 : i32
        %dma_wait3A_184 = tpu.memref_slice %arg12[%dma_wait3A_183] : memref<256xf32, #tpu.memory_space<vmem>> -> memref<32xf32, #tpu.memory_space<vmem>>
        %dma_wait3A_185 = tpu.memref_slice %arg6[%mul3A_91] : memref<1024xf32, #tpu.memory_space<hbm>> -> memref<32xf32, #tpu.memory_space<hbm>>
        tpu.wait_dma2 semaphore(%run_scoped3A : memref<!tpu.dma_semaphore, #tpu.memory_space<semaphore_mem>>) src(%dma_wait3A_185 : memref<32xf32, #tpu.memory_space<hbm>>) dst(%dma_wait3A_184 : memref<32xf32, #tpu.memory_space<vmem>>)
        tpu.yield
      }) : () -> ()
      %add3A_92 = arith.constant 0 : i32
      %add3A_93 = arith.addi %add3A_76, %add3A_92 : i32
      %mul3A_94 = arith.constant 32 : i32
      %mul3A_95 = arith.muli %add3A_93, %mul3A_94 : i32
      "tpu.region"() ({
        %run_scoped3A = tpu.sem_alloc : memref<!tpu.dma_semaphore, #tpu.memory_space<semaphore_mem>>
        %dma_start3A = arith.constant 0 : i32
        %dma_start3A_176 = tpu.memref_slice %arg13[%dma_start3A] : memref<256xi32, #tpu.memory_space<vmem>> -> memref<32xi32, #tpu.memory_space<vmem>>
        %dma_start3A_177 = tpu.memref_slice %arg7[%mul3A_95] : memref<1024xi32, #tpu.memory_space<hbm>> -> memref<32xi32, #tpu.memory_space<hbm>>
        %dma_start3A_178 = arith.constant 0 : i32
        %dma_start3A_179 = tpu.memref_slice %arg13[%dma_start3A_178] : memref<256xi32, #tpu.memory_space<vmem>> -> memref<32xi32, #tpu.memory_space<vmem>>
        %dma_start3A_180 = tpu.memref_slice %arg7[%mul3A_95] : memref<1024xi32, #tpu.memory_space<hbm>> -> memref<32xi32, #tpu.memory_space<hbm>>
        tpu.enqueue_dma source(%dma_start3A_180 : memref<32xi32, #tpu.memory_space<hbm>>) target(%dma_start3A_179 : memref<32xi32, #tpu.memory_space<vmem>>) target_semaphore(%run_scoped3A : memref<!tpu.dma_semaphore, #tpu.memory_space<semaphore_mem>>)
        %dma_wait3A = arith.constant 0 : i32
        %dma_wait3A_181 = tpu.memref_slice %arg13[%dma_wait3A] : memref<256xi32, #tpu.memory_space<vmem>> -> memref<32xi32, #tpu.memory_space<vmem>>
        %dma_wait3A_182 = tpu.memref_slice %arg7[%mul3A_95] : memref<1024xi32, #tpu.memory_space<hbm>> -> memref<32xi32, #tpu.memory_space<hbm>>
        %dma_wait3A_183 = arith.constant 0 : i32
        %dma_wait3A_184 = tpu.memref_slice %arg13[%dma_wait3A_183] : memref<256xi32, #tpu.memory_space<vmem>> -> memref<32xi32, #tpu.memory_space<vmem>>
        %dma_wait3A_185 = tpu.memref_slice %arg7[%mul3A_95] : memref<1024xi32, #tpu.memory_space<hbm>> -> memref<32xi32, #tpu.memory_space<hbm>>
        tpu.wait_dma2 semaphore(%run_scoped3A : memref<!tpu.dma_semaphore, #tpu.memory_space<semaphore_mem>>) src(%dma_wait3A_185 : memref<32xi32, #tpu.memory_space<hbm>>) dst(%dma_wait3A_184 : memref<32xi32, #tpu.memory_space<vmem>>)
        tpu.yield
      }) : () -> ()
      %add3A_96 = arith.constant 1 : i32
      %add3A_97 = arith.addi %add3A_76, %add3A_96 : i32
      %mul3A_98 = arith.constant 32 : i32
      %mul3A_99 = arith.muli %add3A_97, %mul3A_98 : i32
      "tpu.region"() ({
        %run_scoped3A = tpu.sem_alloc : memref<!tpu.dma_semaphore, #tpu.memory_space<semaphore_mem>>
        %dma_start3A = arith.constant 32 : i32
        %dma_start3A_176 = tpu.memref_slice %arg12[%dma_start3A] : memref<256xf32, #tpu.memory_space<vmem>> -> memref<32xf32, #tpu.memory_space<vmem>>
        %dma_start3A_177 = tpu.memref_slice %arg6[%mul3A_99] : memref<1024xf32, #tpu.memory_space<hbm>> -> memref<32xf32, #tpu.memory_space<hbm>>
        %dma_start3A_178 = arith.constant 32 : i32
        %dma_start3A_179 = tpu.memref_slice %arg12[%dma_start3A_178] : memref<256xf32, #tpu.memory_space<vmem>> -> memref<32xf32, #tpu.memory_space<vmem>>
        %dma_start3A_180 = tpu.memref_slice %arg6[%mul3A_99] : memref<1024xf32, #tpu.memory_space<hbm>> -> memref<32xf32, #tpu.memory_space<hbm>>
        tpu.enqueue_dma source(%dma_start3A_180 : memref<32xf32, #tpu.memory_space<hbm>>) target(%dma_start3A_179 : memref<32xf32, #tpu.memory_space<vmem>>) target_semaphore(%run_scoped3A : memref<!tpu.dma_semaphore, #tpu.memory_space<semaphore_mem>>)
        %dma_wait3A = arith.constant 32 : i32
        %dma_wait3A_181 = tpu.memref_slice %arg12[%dma_wait3A] : memref<256xf32, #tpu.memory_space<vmem>> -> memref<32xf32, #tpu.memory_space<vmem>>
        %dma_wait3A_182 = tpu.memref_slice %arg6[%mul3A_99] : memref<1024xf32, #tpu.memory_space<hbm>> -> memref<32xf32, #tpu.memory_space<hbm>>
        %dma_wait3A_183 = arith.constant 32 : i32
        %dma_wait3A_184 = tpu.memref_slice %arg12[%dma_wait3A_183] : memref<256xf32, #tpu.memory_space<vmem>> -> memref<32xf32, #tpu.memory_space<vmem>>
        %dma_wait3A_185 = tpu.memref_slice %arg6[%mul3A_99] : memref<1024xf32, #tpu.memory_space<hbm>> -> memref<32xf32, #tpu.memory_space<hbm>>
        tpu.wait_dma2 semaphore(%run_scoped3A : memref<!tpu.dma_semaphore, #tpu.memory_space<semaphore_mem>>) src(%dma_wait3A_185 : memref<32xf32, #tpu.memory_space<hbm>>) dst(%dma_wait3A_184 : memref<32xf32, #tpu.memory_space<vmem>>)
        tpu.yield
      }) : () -> ()
      %add3A_100 = arith.constant 1 : i32
      %add3A_101 = arith.addi %add3A_76, %add3A_100 : i32
      %mul3A_102 = arith.constant 32 : i32
      %mul3A_103 = arith.muli %add3A_101, %mul3A_102 : i32
      "tpu.region"() ({
        %run_scoped3A = tpu.sem_alloc : memref<!tpu.dma_semaphore, #tpu.memory_space<semaphore_mem>>
        %dma_start3A = arith.constant 32 : i32
        %dma_start3A_176 = tpu.memref_slice %arg13[%dma_start3A] : memref<256xi32, #tpu.memory_space<vmem>> -> memref<32xi32, #tpu.memory_space<vmem>>
        %dma_start3A_177 = tpu.memref_slice %arg7[%mul3A_103] : memref<1024xi32, #tpu.memory_space<hbm>> -> memref<32xi32, #tpu.memory_space<hbm>>
        %dma_start3A_178 = arith.constant 32 : i32
        %dma_start3A_179 = tpu.memref_slice %arg13[%dma_start3A_178] : memref<256xi32, #tpu.memory_space<vmem>> -> memref<32xi32, #tpu.memory_space<vmem>>
        %dma_start3A_180 = tpu.memref_slice %arg7[%mul3A_103] : memref<1024xi32, #tpu.memory_space<hbm>> -> memref<32xi32, #tpu.memory_space<hbm>>
        tpu.enqueue_dma source(%dma_start3A_180 : memref<32xi32, #tpu.memory_space<hbm>>) target(%dma_start3A_179 : memref<32xi32, #tpu.memory_space<vmem>>) target_semaphore(%run_scoped3A : memref<!tpu.dma_semaphore, #tpu.memory_space<semaphore_mem>>)
        %dma_wait3A = arith.constant 32 : i32
        %dma_wait3A_181 = tpu.memref_slice %arg13[%dma_wait3A] : memref<256xi32, #tpu.memory_space<vmem>> -> memref<32xi32, #tpu.memory_space<vmem>>
        %dma_wait3A_182 = tpu.memref_slice %arg7[%mul3A_103] : memref<1024xi32, #tpu.memory_space<hbm>> -> memref<32xi32, #tpu.memory_space<hbm>>
        %dma_wait3A_183 = arith.constant 32 : i32
        %dma_wait3A_184 = tpu.memref_slice %arg13[%dma_wait3A_183] : memref<256xi32, #tpu.memory_space<vmem>> -> memref<32xi32, #tpu.memory_space<vmem>>
        %dma_wait3A_185 = tpu.memref_slice %arg7[%mul3A_103] : memref<1024xi32, #tpu.memory_space<hbm>> -> memref<32xi32, #tpu.memory_space<hbm>>
        tpu.wait_dma2 semaphore(%run_scoped3A : memref<!tpu.dma_semaphore, #tpu.memory_space<semaphore_mem>>) src(%dma_wait3A_185 : memref<32xi32, #tpu.memory_space<hbm>>) dst(%dma_wait3A_184 : memref<32xi32, #tpu.memory_space<vmem>>)
        tpu.yield
      }) : () -> ()
      %add3A_104 = arith.constant 2 : i32
      %add3A_105 = arith.addi %add3A_76, %add3A_104 : i32
      %mul3A_106 = arith.constant 32 : i32
      %mul3A_107 = arith.muli %add3A_105, %mul3A_106 : i32
      "tpu.region"() ({
        %run_scoped3A = tpu.sem_alloc : memref<!tpu.dma_semaphore, #tpu.memory_space<semaphore_mem>>
        %dma_start3A = arith.constant 64 : i32
        %dma_start3A_176 = tpu.memref_slice %arg12[%dma_start3A] : memref<256xf32, #tpu.memory_space<vmem>> -> memref<32xf32, #tpu.memory_space<vmem>>
        %dma_start3A_177 = tpu.memref_slice %arg6[%mul3A_107] : memref<1024xf32, #tpu.memory_space<hbm>> -> memref<32xf32, #tpu.memory_space<hbm>>
        %dma_start3A_178 = arith.constant 64 : i32
        %dma_start3A_179 = tpu.memref_slice %arg12[%dma_start3A_178] : memref<256xf32, #tpu.memory_space<vmem>> -> memref<32xf32, #tpu.memory_space<vmem>>
        %dma_start3A_180 = tpu.memref_slice %arg6[%mul3A_107] : memref<1024xf32, #tpu.memory_space<hbm>> -> memref<32xf32, #tpu.memory_space<hbm>>
        tpu.enqueue_dma source(%dma_start3A_180 : memref<32xf32, #tpu.memory_space<hbm>>) target(%dma_start3A_179 : memref<32xf32, #tpu.memory_space<vmem>>) target_semaphore(%run_scoped3A : memref<!tpu.dma_semaphore, #tpu.memory_space<semaphore_mem>>)
        %dma_wait3A = arith.constant 64 : i32
        %dma_wait3A_181 = tpu.memref_slice %arg12[%dma_wait3A] : memref<256xf32, #tpu.memory_space<vmem>> -> memref<32xf32, #tpu.memory_space<vmem>>
        %dma_wait3A_182 = tpu.memref_slice %arg6[%mul3A_107] : memref<1024xf32, #tpu.memory_space<hbm>> -> memref<32xf32, #tpu.memory_space<hbm>>
        %dma_wait3A_183 = arith.constant 64 : i32
        %dma_wait3A_184 = tpu.memref_slice %arg12[%dma_wait3A_183] : memref<256xf32, #tpu.memory_space<vmem>> -> memref<32xf32, #tpu.memory_space<vmem>>
        %dma_wait3A_185 = tpu.memref_slice %arg6[%mul3A_107] : memref<1024xf32, #tpu.memory_space<hbm>> -> memref<32xf32, #tpu.memory_space<hbm>>
        tpu.wait_dma2 semaphore(%run_scoped3A : memref<!tpu.dma_semaphore, #tpu.memory_space<semaphore_mem>>) src(%dma_wait3A_185 : memref<32xf32, #tpu.memory_space<hbm>>) dst(%dma_wait3A_184 : memref<32xf32, #tpu.memory_space<vmem>>)
        tpu.yield
      }) : () -> ()
      %add3A_108 = arith.constant 2 : i32
      %add3A_109 = arith.addi %add3A_76, %add3A_108 : i32
      %mul3A_110 = arith.constant 32 : i32
      %mul3A_111 = arith.muli %add3A_109, %mul3A_110 : i32
      "tpu.region"() ({
        %run_scoped3A = tpu.sem_alloc : memref<!tpu.dma_semaphore, #tpu.memory_space<semaphore_mem>>
        %dma_start3A = arith.constant 64 : i32
        %dma_start3A_176 = tpu.memref_slice %arg13[%dma_start3A] : memref<256xi32, #tpu.memory_space<vmem>> -> memref<32xi32, #tpu.memory_space<vmem>>
        %dma_start3A_177 = tpu.memref_slice %arg7[%mul3A_111] : memref<1024xi32, #tpu.memory_space<hbm>> -> memref<32xi32, #tpu.memory_space<hbm>>
        %dma_start3A_178 = arith.constant 64 : i32
        %dma_start3A_179 = tpu.memref_slice %arg13[%dma_start3A_178] : memref<256xi32, #tpu.memory_space<vmem>> -> memref<32xi32, #tpu.memory_space<vmem>>
        %dma_start3A_180 = tpu.memref_slice %arg7[%mul3A_111] : memref<1024xi32, #tpu.memory_space<hbm>> -> memref<32xi32, #tpu.memory_space<hbm>>
        tpu.enqueue_dma source(%dma_start3A_180 : memref<32xi32, #tpu.memory_space<hbm>>) target(%dma_start3A_179 : memref<32xi32, #tpu.memory_space<vmem>>) target_semaphore(%run_scoped3A : memref<!tpu.dma_semaphore, #tpu.memory_space<semaphore_mem>>)
        %dma_wait3A = arith.constant 64 : i32
        %dma_wait3A_181 = tpu.memref_slice %arg13[%dma_wait3A] : memref<256xi32, #tpu.memory_space<vmem>> -> memref<32xi32, #tpu.memory_space<vmem>>
        %dma_wait3A_182 = tpu.memref_slice %arg7[%mul3A_111] : memref<1024xi32, #tpu.memory_space<hbm>> -> memref<32xi32, #tpu.memory_space<hbm>>
        %dma_wait3A_183 = arith.constant 64 : i32
        %dma_wait3A_184 = tpu.memref_slice %arg13[%dma_wait3A_183] : memref<256xi32, #tpu.memory_space<vmem>> -> memref<32xi32, #tpu.memory_space<vmem>>
        %dma_wait3A_185 = tpu.memref_slice %arg7[%mul3A_111] : memref<1024xi32, #tpu.memory_space<hbm>> -> memref<32xi32, #tpu.memory_space<hbm>>
        tpu.wait_dma2 semaphore(%run_scoped3A : memref<!tpu.dma_semaphore, #tpu.memory_space<semaphore_mem>>) src(%dma_wait3A_185 : memref<32xi32, #tpu.memory_space<hbm>>) dst(%dma_wait3A_184 : memref<32xi32, #tpu.memory_space<vmem>>)
        tpu.yield
      }) : () -> ()
      %add3A_112 = arith.constant 3 : i32
      %add3A_113 = arith.addi %add3A_76, %add3A_112 : i32
      %mul3A_114 = arith.constant 32 : i32
      %mul3A_115 = arith.muli %add3A_113, %mul3A_114 : i32
      "tpu.region"() ({
        %run_scoped3A = tpu.sem_alloc : memref<!tpu.dma_semaphore, #tpu.memory_space<semaphore_mem>>
        %dma_start3A = arith.constant 96 : i32
        %dma_start3A_176 = tpu.memref_slice %arg12[%dma_start3A] : memref<256xf32, #tpu.memory_space<vmem>> -> memref<32xf32, #tpu.memory_space<vmem>>
        %dma_start3A_177 = tpu.memref_slice %arg6[%mul3A_115] : memref<1024xf32, #tpu.memory_space<hbm>> -> memref<32xf32, #tpu.memory_space<hbm>>
        %dma_start3A_178 = arith.constant 96 : i32
        %dma_start3A_179 = tpu.memref_slice %arg12[%dma_start3A_178] : memref<256xf32, #tpu.memory_space<vmem>> -> memref<32xf32, #tpu.memory_space<vmem>>
        %dma_start3A_180 = tpu.memref_slice %arg6[%mul3A_115] : memref<1024xf32, #tpu.memory_space<hbm>> -> memref<32xf32, #tpu.memory_space<hbm>>
        tpu.enqueue_dma source(%dma_start3A_180 : memref<32xf32, #tpu.memory_space<hbm>>) target(%dma_start3A_179 : memref<32xf32, #tpu.memory_space<vmem>>) target_semaphore(%run_scoped3A : memref<!tpu.dma_semaphore, #tpu.memory_space<semaphore_mem>>)
        %dma_wait3A = arith.constant 96 : i32
        %dma_wait3A_181 = tpu.memref_slice %arg12[%dma_wait3A] : memref<256xf32, #tpu.memory_space<vmem>> -> memref<32xf32, #tpu.memory_space<vmem>>
        %dma_wait3A_182 = tpu.memref_slice %arg6[%mul3A_115] : memref<1024xf32, #tpu.memory_space<hbm>> -> memref<32xf32, #tpu.memory_space<hbm>>
        %dma_wait3A_183 = arith.constant 96 : i32
        %dma_wait3A_184 = tpu.memref_slice %arg12[%dma_wait3A_183] : memref<256xf32, #tpu.memory_space<vmem>> -> memref<32xf32, #tpu.memory_space<vmem>>
        %dma_wait3A_185 = tpu.memref_slice %arg6[%mul3A_115] : memref<1024xf32, #tpu.memory_space<hbm>> -> memref<32xf32, #tpu.memory_space<hbm>>
        tpu.wait_dma2 semaphore(%run_scoped3A : memref<!tpu.dma_semaphore, #tpu.memory_space<semaphore_mem>>) src(%dma_wait3A_185 : memref<32xf32, #tpu.memory_space<hbm>>) dst(%dma_wait3A_184 : memref<32xf32, #tpu.memory_space<vmem>>)
        tpu.yield
      }) : () -> ()
      %add3A_116 = arith.constant 3 : i32
      %add3A_117 = arith.addi %add3A_76, %add3A_116 : i32
      %mul3A_118 = arith.constant 32 : i32
      %mul3A_119 = arith.muli %add3A_117, %mul3A_118 : i32
      "tpu.region"() ({
        %run_scoped3A = tpu.sem_alloc : memref<!tpu.dma_semaphore, #tpu.memory_space<semaphore_mem>>
        %dma_start3A = arith.constant 96 : i32
        %dma_start3A_176 = tpu.memref_slice %arg13[%dma_start3A] : memref<256xi32, #tpu.memory_space<vmem>> -> memref<32xi32, #tpu.memory_space<vmem>>
        %dma_start3A_177 = tpu.memref_slice %arg7[%mul3A_119] : memref<1024xi32, #tpu.memory_space<hbm>> -> memref<32xi32, #tpu.memory_space<hbm>>
        %dma_start3A_178 = arith.constant 96 : i32
        %dma_start3A_179 = tpu.memref_slice %arg13[%dma_start3A_178] : memref<256xi32, #tpu.memory_space<vmem>> -> memref<32xi32, #tpu.memory_space<vmem>>
        %dma_start3A_180 = tpu.memref_slice %arg7[%mul3A_119] : memref<1024xi32, #tpu.memory_space<hbm>> -> memref<32xi32, #tpu.memory_space<hbm>>
        tpu.enqueue_dma source(%dma_start3A_180 : memref<32xi32, #tpu.memory_space<hbm>>) target(%dma_start3A_179 : memref<32xi32, #tpu.memory_space<vmem>>) target_semaphore(%run_scoped3A : memref<!tpu.dma_semaphore, #tpu.memory_space<semaphore_mem>>)
        %dma_wait3A = arith.constant 96 : i32
        %dma_wait3A_181 = tpu.memref_slice %arg13[%dma_wait3A] : memref<256xi32, #tpu.memory_space<vmem>> -> memref<32xi32, #tpu.memory_space<vmem>>
        %dma_wait3A_182 = tpu.memref_slice %arg7[%mul3A_119] : memref<1024xi32, #tpu.memory_space<hbm>> -> memref<32xi32, #tpu.memory_space<hbm>>
        %dma_wait3A_183 = arith.constant 96 : i32
        %dma_wait3A_184 = tpu.memref_slice %arg13[%dma_wait3A_183] : memref<256xi32, #tpu.memory_space<vmem>> -> memref<32xi32, #tpu.memory_space<vmem>>
        %dma_wait3A_185 = tpu.memref_slice %arg7[%mul3A_119] : memref<1024xi32, #tpu.memory_space<hbm>> -> memref<32xi32, #tpu.memory_space<hbm>>
        tpu.wait_dma2 semaphore(%run_scoped3A : memref<!tpu.dma_semaphore, #tpu.memory_space<semaphore_mem>>) src(%dma_wait3A_185 : memref<32xi32, #tpu.memory_space<hbm>>) dst(%dma_wait3A_184 : memref<32xi32, #tpu.memory_space<vmem>>)
        tpu.yield
      }) : () -> ()
      %add3A_120 = arith.constant 4 : i32
      %add3A_121 = arith.addi %add3A_76, %add3A_120 : i32
      %mul3A_122 = arith.constant 32 : i32
      %mul3A_123 = arith.muli %add3A_121, %mul3A_122 : i32
      "tpu.region"() ({
        %run_scoped3A = tpu.sem_alloc : memref<!tpu.dma_semaphore, #tpu.memory_space<semaphore_mem>>
        %dma_start3A = arith.constant 128 : i32
        %dma_start3A_176 = tpu.memref_slice %arg12[%dma_start3A] : memref<256xf32, #tpu.memory_space<vmem>> -> memref<32xf32, #tpu.memory_space<vmem>>
        %dma_start3A_177 = tpu.memref_slice %arg6[%mul3A_123] : memref<1024xf32, #tpu.memory_space<hbm>> -> memref<32xf32, #tpu.memory_space<hbm>>
        %dma_start3A_178 = arith.constant 128 : i32
        %dma_start3A_179 = tpu.memref_slice %arg12[%dma_start3A_178] : memref<256xf32, #tpu.memory_space<vmem>> -> memref<32xf32, #tpu.memory_space<vmem>>
        %dma_start3A_180 = tpu.memref_slice %arg6[%mul3A_123] : memref<1024xf32, #tpu.memory_space<hbm>> -> memref<32xf32, #tpu.memory_space<hbm>>
        tpu.enqueue_dma source(%dma_start3A_180 : memref<32xf32, #tpu.memory_space<hbm>>) target(%dma_start3A_179 : memref<32xf32, #tpu.memory_space<vmem>>) target_semaphore(%run_scoped3A : memref<!tpu.dma_semaphore, #tpu.memory_space<semaphore_mem>>)
        %dma_wait3A = arith.constant 128 : i32
        %dma_wait3A_181 = tpu.memref_slice %arg12[%dma_wait3A] : memref<256xf32, #tpu.memory_space<vmem>> -> memref<32xf32, #tpu.memory_space<vmem>>
        %dma_wait3A_182 = tpu.memref_slice %arg6[%mul3A_123] : memref<1024xf32, #tpu.memory_space<hbm>> -> memref<32xf32, #tpu.memory_space<hbm>>
        %dma_wait3A_183 = arith.constant 128 : i32
        %dma_wait3A_184 = tpu.memref_slice %arg12[%dma_wait3A_183] : memref<256xf32, #tpu.memory_space<vmem>> -> memref<32xf32, #tpu.memory_space<vmem>>
        %dma_wait3A_185 = tpu.memref_slice %arg6[%mul3A_123] : memref<1024xf32, #tpu.memory_space<hbm>> -> memref<32xf32, #tpu.memory_space<hbm>>
        tpu.wait_dma2 semaphore(%run_scoped3A : memref<!tpu.dma_semaphore, #tpu.memory_space<semaphore_mem>>) src(%dma_wait3A_185 : memref<32xf32, #tpu.memory_space<hbm>>) dst(%dma_wait3A_184 : memref<32xf32, #tpu.memory_space<vmem>>)
        tpu.yield
      }) : () -> ()
      %add3A_124 = arith.constant 4 : i32
      %add3A_125 = arith.addi %add3A_76, %add3A_124 : i32
      %mul3A_126 = arith.constant 32 : i32
      %mul3A_127 = arith.muli %add3A_125, %mul3A_126 : i32
      "tpu.region"() ({
        %run_scoped3A = tpu.sem_alloc : memref<!tpu.dma_semaphore, #tpu.memory_space<semaphore_mem>>
        %dma_start3A = arith.constant 128 : i32
        %dma_start3A_176 = tpu.memref_slice %arg13[%dma_start3A] : memref<256xi32, #tpu.memory_space<vmem>> -> memref<32xi32, #tpu.memory_space<vmem>>
        %dma_start3A_177 = tpu.memref_slice %arg7[%mul3A_127] : memref<1024xi32, #tpu.memory_space<hbm>> -> memref<32xi32, #tpu.memory_space<hbm>>
        %dma_start3A_178 = arith.constant 128 : i32
        %dma_start3A_179 = tpu.memref_slice %arg13[%dma_start3A_178] : memref<256xi32, #tpu.memory_space<vmem>> -> memref<32xi32, #tpu.memory_space<vmem>>
        %dma_start3A_180 = tpu.memref_slice %arg7[%mul3A_127] : memref<1024xi32, #tpu.memory_space<hbm>> -> memref<32xi32, #tpu.memory_space<hbm>>
        tpu.enqueue_dma source(%dma_start3A_180 : memref<32xi32, #tpu.memory_space<hbm>>) target(%dma_start3A_179 : memref<32xi32, #tpu.memory_space<vmem>>) target_semaphore(%run_scoped3A : memref<!tpu.dma_semaphore, #tpu.memory_space<semaphore_mem>>)
        %dma_wait3A = arith.constant 128 : i32
        %dma_wait3A_181 = tpu.memref_slice %arg13[%dma_wait3A] : memref<256xi32, #tpu.memory_space<vmem>> -> memref<32xi32, #tpu.memory_space<vmem>>
        %dma_wait3A_182 = tpu.memref_slice %arg7[%mul3A_127] : memref<1024xi32, #tpu.memory_space<hbm>> -> memref<32xi32, #tpu.memory_space<hbm>>
        %dma_wait3A_183 = arith.constant 128 : i32
        %dma_wait3A_184 = tpu.memref_slice %arg13[%dma_wait3A_183] : memref<256xi32, #tpu.memory_space<vmem>> -> memref<32xi32, #tpu.memory_space<vmem>>
        %dma_wait3A_185 = tpu.memref_slice %arg7[%mul3A_127] : memref<1024xi32, #tpu.memory_space<hbm>> -> memref<32xi32, #tpu.memory_space<hbm>>
        tpu.wait_dma2 semaphore(%run_scoped3A : memref<!tpu.dma_semaphore, #tpu.memory_space<semaphore_mem>>) src(%dma_wait3A_185 : memref<32xi32, #tpu.memory_space<hbm>>) dst(%dma_wait3A_184 : memref<32xi32, #tpu.memory_space<vmem>>)
        tpu.yield
      }) : () -> ()
      %add3A_128 = arith.constant 5 : i32
      %add3A_129 = arith.addi %add3A_76, %add3A_128 : i32
      %mul3A_130 = arith.constant 32 : i32
      %mul3A_131 = arith.muli %add3A_129, %mul3A_130 : i32
      "tpu.region"() ({
        %run_scoped3A = tpu.sem_alloc : memref<!tpu.dma_semaphore, #tpu.memory_space<semaphore_mem>>
        %dma_start3A = arith.constant 160 : i32
        %dma_start3A_176 = tpu.memref_slice %arg12[%dma_start3A] : memref<256xf32, #tpu.memory_space<vmem>> -> memref<32xf32, #tpu.memory_space<vmem>>
        %dma_start3A_177 = tpu.memref_slice %arg6[%mul3A_131] : memref<1024xf32, #tpu.memory_space<hbm>> -> memref<32xf32, #tpu.memory_space<hbm>>
        %dma_start3A_178 = arith.constant 160 : i32
        %dma_start3A_179 = tpu.memref_slice %arg12[%dma_start3A_178] : memref<256xf32, #tpu.memory_space<vmem>> -> memref<32xf32, #tpu.memory_space<vmem>>
        %dma_start3A_180 = tpu.memref_slice %arg6[%mul3A_131] : memref<1024xf32, #tpu.memory_space<hbm>> -> memref<32xf32, #tpu.memory_space<hbm>>
        tpu.enqueue_dma source(%dma_start3A_180 : memref<32xf32, #tpu.memory_space<hbm>>) target(%dma_start3A_179 : memref<32xf32, #tpu.memory_space<vmem>>) target_semaphore(%run_scoped3A : memref<!tpu.dma_semaphore, #tpu.memory_space<semaphore_mem>>)
        %dma_wait3A = arith.constant 160 : i32
        %dma_wait3A_181 = tpu.memref_slice %arg12[%dma_wait3A] : memref<256xf32, #tpu.memory_space<vmem>> -> memref<32xf32, #tpu.memory_space<vmem>>
        %dma_wait3A_182 = tpu.memref_slice %arg6[%mul3A_131] : memref<1024xf32, #tpu.memory_space<hbm>> -> memref<32xf32, #tpu.memory_space<hbm>>
        %dma_wait3A_183 = arith.constant 160 : i32
        %dma_wait3A_184 = tpu.memref_slice %arg12[%dma_wait3A_183] : memref<256xf32, #tpu.memory_space<vmem>> -> memref<32xf32, #tpu.memory_space<vmem>>
        %dma_wait3A_185 = tpu.memref_slice %arg6[%mul3A_131] : memref<1024xf32, #tpu.memory_space<hbm>> -> memref<32xf32, #tpu.memory_space<hbm>>
        tpu.wait_dma2 semaphore(%run_scoped3A : memref<!tpu.dma_semaphore, #tpu.memory_space<semaphore_mem>>) src(%dma_wait3A_185 : memref<32xf32, #tpu.memory_space<hbm>>) dst(%dma_wait3A_184 : memref<32xf32, #tpu.memory_space<vmem>>)
        tpu.yield
      }) : () -> ()
      %add3A_132 = arith.constant 5 : i32
      %add3A_133 = arith.addi %add3A_76, %add3A_132 : i32
      %mul3A_134 = arith.constant 32 : i32
      %mul3A_135 = arith.muli %add3A_133, %mul3A_134 : i32
      "tpu.region"() ({
        %run_scoped3A = tpu.sem_alloc : memref<!tpu.dma_semaphore, #tpu.memory_space<semaphore_mem>>
        %dma_start3A = arith.constant 160 : i32
        %dma_start3A_176 = tpu.memref_slice %arg13[%dma_start3A] : memref<256xi32, #tpu.memory_space<vmem>> -> memref<32xi32, #tpu.memory_space<vmem>>
        %dma_start3A_177 = tpu.memref_slice %arg7[%mul3A_135] : memref<1024xi32, #tpu.memory_space<hbm>> -> memref<32xi32, #tpu.memory_space<hbm>>
        %dma_start3A_178 = arith.constant 160 : i32
        %dma_start3A_179 = tpu.memref_slice %arg13[%dma_start3A_178] : memref<256xi32, #tpu.memory_space<vmem>> -> memref<32xi32, #tpu.memory_space<vmem>>
        %dma_start3A_180 = tpu.memref_slice %arg7[%mul3A_135] : memref<1024xi32, #tpu.memory_space<hbm>> -> memref<32xi32, #tpu.memory_space<hbm>>
        tpu.enqueue_dma source(%dma_start3A_180 : memref<32xi32, #tpu.memory_space<hbm>>) target(%dma_start3A_179 : memref<32xi32, #tpu.memory_space<vmem>>) target_semaphore(%run_scoped3A : memref<!tpu.dma_semaphore, #tpu.memory_space<semaphore_mem>>)
        %dma_wait3A = arith.constant 160 : i32
        %dma_wait3A_181 = tpu.memref_slice %arg13[%dma_wait3A] : memref<256xi32, #tpu.memory_space<vmem>> -> memref<32xi32, #tpu.memory_space<vmem>>
        %dma_wait3A_182 = tpu.memref_slice %arg7[%mul3A_135] : memref<1024xi32, #tpu.memory_space<hbm>> -> memref<32xi32, #tpu.memory_space<hbm>>
        %dma_wait3A_183 = arith.constant 160 : i32
        %dma_wait3A_184 = tpu.memref_slice %arg13[%dma_wait3A_183] : memref<256xi32, #tpu.memory_space<vmem>> -> memref<32xi32, #tpu.memory_space<vmem>>
        %dma_wait3A_185 = tpu.memref_slice %arg7[%mul3A_135] : memref<1024xi32, #tpu.memory_space<hbm>> -> memref<32xi32, #tpu.memory_space<hbm>>
        tpu.wait_dma2 semaphore(%run_scoped3A : memref<!tpu.dma_semaphore, #tpu.memory_space<semaphore_mem>>) src(%dma_wait3A_185 : memref<32xi32, #tpu.memory_space<hbm>>) dst(%dma_wait3A_184 : memref<32xi32, #tpu.memory_space<vmem>>)
        tpu.yield
      }) : () -> ()
      %add3A_136 = arith.constant 6 : i32
      %add3A_137 = arith.addi %add3A_76, %add3A_136 : i32
      %mul3A_138 = arith.constant 32 : i32
      %mul3A_139 = arith.muli %add3A_137, %mul3A_138 : i32
      "tpu.region"() ({
        %run_scoped3A = tpu.sem_alloc : memref<!tpu.dma_semaphore, #tpu.memory_space<semaphore_mem>>
        %dma_start3A = arith.constant 192 : i32
        %dma_start3A_176 = tpu.memref_slice %arg12[%dma_start3A] : memref<256xf32, #tpu.memory_space<vmem>> -> memref<32xf32, #tpu.memory_space<vmem>>
        %dma_start3A_177 = tpu.memref_slice %arg6[%mul3A_139] : memref<1024xf32, #tpu.memory_space<hbm>> -> memref<32xf32, #tpu.memory_space<hbm>>
        %dma_start3A_178 = arith.constant 192 : i32
        %dma_start3A_179 = tpu.memref_slice %arg12[%dma_start3A_178] : memref<256xf32, #tpu.memory_space<vmem>> -> memref<32xf32, #tpu.memory_space<vmem>>
        %dma_start3A_180 = tpu.memref_slice %arg6[%mul3A_139] : memref<1024xf32, #tpu.memory_space<hbm>> -> memref<32xf32, #tpu.memory_space<hbm>>
        tpu.enqueue_dma source(%dma_start3A_180 : memref<32xf32, #tpu.memory_space<hbm>>) target(%dma_start3A_179 : memref<32xf32, #tpu.memory_space<vmem>>) target_semaphore(%run_scoped3A : memref<!tpu.dma_semaphore, #tpu.memory_space<semaphore_mem>>)
        %dma_wait3A = arith.constant 192 : i32
        %dma_wait3A_181 = tpu.memref_slice %arg12[%dma_wait3A] : memref<256xf32, #tpu.memory_space<vmem>> -> memref<32xf32, #tpu.memory_space<vmem>>
        %dma_wait3A_182 = tpu.memref_slice %arg6[%mul3A_139] : memref<1024xf32, #tpu.memory_space<hbm>> -> memref<32xf32, #tpu.memory_space<hbm>>
        %dma_wait3A_183 = arith.constant 192 : i32
        %dma_wait3A_184 = tpu.memref_slice %arg12[%dma_wait3A_183] : memref<256xf32, #tpu.memory_space<vmem>> -> memref<32xf32, #tpu.memory_space<vmem>>
        %dma_wait3A_185 = tpu.memref_slice %arg6[%mul3A_139] : memref<1024xf32, #tpu.memory_space<hbm>> -> memref<32xf32, #tpu.memory_space<hbm>>
        tpu.wait_dma2 semaphore(%run_scoped3A : memref<!tpu.dma_semaphore, #tpu.memory_space<semaphore_mem>>) src(%dma_wait3A_185 : memref<32xf32, #tpu.memory_space<hbm>>) dst(%dma_wait3A_184 : memref<32xf32, #tpu.memory_space<vmem>>)
        tpu.yield
      }) : () -> ()
      %add3A_140 = arith.constant 6 : i32
      %add3A_141 = arith.addi %add3A_76, %add3A_140 : i32
      %mul3A_142 = arith.constant 32 : i32
      %mul3A_143 = arith.muli %add3A_141, %mul3A_142 : i32
      "tpu.region"() ({
        %run_scoped3A = tpu.sem_alloc : memref<!tpu.dma_semaphore, #tpu.memory_space<semaphore_mem>>
        %dma_start3A = arith.constant 192 : i32
        %dma_start3A_176 = tpu.memref_slice %arg13[%dma_start3A] : memref<256xi32, #tpu.memory_space<vmem>> -> memref<32xi32, #tpu.memory_space<vmem>>
        %dma_start3A_177 = tpu.memref_slice %arg7[%mul3A_143] : memref<1024xi32, #tpu.memory_space<hbm>> -> memref<32xi32, #tpu.memory_space<hbm>>
        %dma_start3A_178 = arith.constant 192 : i32
        %dma_start3A_179 = tpu.memref_slice %arg13[%dma_start3A_178] : memref<256xi32, #tpu.memory_space<vmem>> -> memref<32xi32, #tpu.memory_space<vmem>>
        %dma_start3A_180 = tpu.memref_slice %arg7[%mul3A_143] : memref<1024xi32, #tpu.memory_space<hbm>> -> memref<32xi32, #tpu.memory_space<hbm>>
        tpu.enqueue_dma source(%dma_start3A_180 : memref<32xi32, #tpu.memory_space<hbm>>) target(%dma_start3A_179 : memref<32xi32, #tpu.memory_space<vmem>>) target_semaphore(%run_scoped3A : memref<!tpu.dma_semaphore, #tpu.memory_space<semaphore_mem>>)
        %dma_wait3A = arith.constant 192 : i32
        %dma_wait3A_181 = tpu.memref_slice %arg13[%dma_wait3A] : memref<256xi32, #tpu.memory_space<vmem>> -> memref<32xi32, #tpu.memory_space<vmem>>
        %dma_wait3A_182 = tpu.memref_slice %arg7[%mul3A_143] : memref<1024xi32, #tpu.memory_space<hbm>> -> memref<32xi32, #tpu.memory_space<hbm>>
        %dma_wait3A_183 = arith.constant 192 : i32
        %dma_wait3A_184 = tpu.memref_slice %arg13[%dma_wait3A_183] : memref<256xi32, #tpu.memory_space<vmem>> -> memref<32xi32, #tpu.memory_space<vmem>>
        %dma_wait3A_185 = tpu.memref_slice %arg7[%mul3A_143] : memref<1024xi32, #tpu.memory_space<hbm>> -> memref<32xi32, #tpu.memory_space<hbm>>
        tpu.wait_dma2 semaphore(%run_scoped3A : memref<!tpu.dma_semaphore, #tpu.memory_space<semaphore_mem>>) src(%dma_wait3A_185 : memref<32xi32, #tpu.memory_space<hbm>>) dst(%dma_wait3A_184 : memref<32xi32, #tpu.memory_space<vmem>>)
        tpu.yield
      }) : () -> ()
      %add3A_144 = arith.constant 7 : i32
      %add3A_145 = arith.addi %add3A_76, %add3A_144 : i32
      %mul3A_146 = arith.constant 32 : i32
      %mul3A_147 = arith.muli %add3A_145, %mul3A_146 : i32
      "tpu.region"() ({
        %run_scoped3A = tpu.sem_alloc : memref<!tpu.dma_semaphore, #tpu.memory_space<semaphore_mem>>
        %dma_start3A = arith.constant 224 : i32
        %dma_start3A_176 = tpu.memref_slice %arg12[%dma_start3A] : memref<256xf32, #tpu.memory_space<vmem>> -> memref<32xf32, #tpu.memory_space<vmem>>
        %dma_start3A_177 = tpu.memref_slice %arg6[%mul3A_147] : memref<1024xf32, #tpu.memory_space<hbm>> -> memref<32xf32, #tpu.memory_space<hbm>>
        %dma_start3A_178 = arith.constant 224 : i32
        %dma_start3A_179 = tpu.memref_slice %arg12[%dma_start3A_178] : memref<256xf32, #tpu.memory_space<vmem>> -> memref<32xf32, #tpu.memory_space<vmem>>
        %dma_start3A_180 = tpu.memref_slice %arg6[%mul3A_147] : memref<1024xf32, #tpu.memory_space<hbm>> -> memref<32xf32, #tpu.memory_space<hbm>>
        tpu.enqueue_dma source(%dma_start3A_180 : memref<32xf32, #tpu.memory_space<hbm>>) target(%dma_start3A_179 : memref<32xf32, #tpu.memory_space<vmem>>) target_semaphore(%run_scoped3A : memref<!tpu.dma_semaphore, #tpu.memory_space<semaphore_mem>>)
        %dma_wait3A = arith.constant 224 : i32
        %dma_wait3A_181 = tpu.memref_slice %arg12[%dma_wait3A] : memref<256xf32, #tpu.memory_space<vmem>> -> memref<32xf32, #tpu.memory_space<vmem>>
        %dma_wait3A_182 = tpu.memref_slice %arg6[%mul3A_147] : memref<1024xf32, #tpu.memory_space<hbm>> -> memref<32xf32, #tpu.memory_space<hbm>>
        %dma_wait3A_183 = arith.constant 224 : i32
        %dma_wait3A_184 = tpu.memref_slice %arg12[%dma_wait3A_183] : memref<256xf32, #tpu.memory_space<vmem>> -> memref<32xf32, #tpu.memory_space<vmem>>
        %dma_wait3A_185 = tpu.memref_slice %arg6[%mul3A_147] : memref<1024xf32, #tpu.memory_space<hbm>> -> memref<32xf32, #tpu.memory_space<hbm>>
        tpu.wait_dma2 semaphore(%run_scoped3A : memref<!tpu.dma_semaphore, #tpu.memory_space<semaphore_mem>>) src(%dma_wait3A_185 : memref<32xf32, #tpu.memory_space<hbm>>) dst(%dma_wait3A_184 : memref<32xf32, #tpu.memory_space<vmem>>)
        tpu.yield
      }) : () -> ()
      %add3A_148 = arith.constant 7 : i32
      %add3A_149 = arith.addi %add3A_76, %add3A_148 : i32
      %mul3A_150 = arith.constant 32 : i32
      %mul3A_151 = arith.muli %add3A_149, %mul3A_150 : i32
      "tpu.region"() ({
        %run_scoped3A = tpu.sem_alloc : memref<!tpu.dma_semaphore, #tpu.memory_space<semaphore_mem>>
        %dma_start3A = arith.constant 224 : i32
        %dma_start3A_176 = tpu.memref_slice %arg13[%dma_start3A] : memref<256xi32, #tpu.memory_space<vmem>> -> memref<32xi32, #tpu.memory_space<vmem>>
        %dma_start3A_177 = tpu.memref_slice %arg7[%mul3A_151] : memref<1024xi32, #tpu.memory_space<hbm>> -> memref<32xi32, #tpu.memory_space<hbm>>
        %dma_start3A_178 = arith.constant 224 : i32
        %dma_start3A_179 = tpu.memref_slice %arg13[%dma_start3A_178] : memref<256xi32, #tpu.memory_space<vmem>> -> memref<32xi32, #tpu.memory_space<vmem>>
        %dma_start3A_180 = tpu.memref_slice %arg7[%mul3A_151] : memref<1024xi32, #tpu.memory_space<hbm>> -> memref<32xi32, #tpu.memory_space<hbm>>
        tpu.enqueue_dma source(%dma_start3A_180 : memref<32xi32, #tpu.memory_space<hbm>>) target(%dma_start3A_179 : memref<32xi32, #tpu.memory_space<vmem>>) target_semaphore(%run_scoped3A : memref<!tpu.dma_semaphore, #tpu.memory_space<semaphore_mem>>)
        %dma_wait3A = arith.constant 224 : i32
        %dma_wait3A_181 = tpu.memref_slice %arg13[%dma_wait3A] : memref<256xi32, #tpu.memory_space<vmem>> -> memref<32xi32, #tpu.memory_space<vmem>>
        %dma_wait3A_182 = tpu.memref_slice %arg7[%mul3A_151] : memref<1024xi32, #tpu.memory_space<hbm>> -> memref<32xi32, #tpu.memory_space<hbm>>
        %dma_wait3A_183 = arith.constant 224 : i32
        %dma_wait3A_184 = tpu.memref_slice %arg13[%dma_wait3A_183] : memref<256xi32, #tpu.memory_space<vmem>> -> memref<32xi32, #tpu.memory_space<vmem>>
        %dma_wait3A_185 = tpu.memref_slice %arg7[%mul3A_151] : memref<1024xi32, #tpu.memory_space<hbm>> -> memref<32xi32, #tpu.memory_space<hbm>>
        tpu.wait_dma2 semaphore(%run_scoped3A : memref<!tpu.dma_semaphore, #tpu.memory_space<semaphore_mem>>) src(%dma_wait3A_185 : memref<32xi32, #tpu.memory_space<hbm>>) dst(%dma_wait3A_184 : memref<32xi32, #tpu.memory_space<vmem>>)
        tpu.yield
      }) : () -> ()
      %lt3A_152 = arith.constant 8 : i32
      %lt3A_153 = vector.broadcast %lt3A_152 : i32 to vector<16xi32>
      %lt3A_154 = arith.cmpi slt, %iota3A, %lt3A_153 : vector<16xi32>
      %mul3A_155 = arith.constant 32 : i32
      %mul3A_156 = vector.broadcast %mul3A_155 : i32 to vector<16xi32>
      %mul3A_157 = arith.muli %iota3A, %mul3A_156 : vector<16xi32>
      %jit3A_158 = arith.constant 0 : i32
      %broadcast_in_dim3A_159 = vector.broadcast %jit3A_158 : i32 to vector<16xi32>
      %select_n3A_160 = arith.select %lt3A_154, %mul3A_157, %broadcast_in_dim3A_159 : vector<16xi1>, vector<16xi32>
      %gather3A = tpu.vector_load_idx %arg12[%select_n3A_160] : memref<256xf32, #tpu.memory_space<vmem>>[vector<16xi32>], vector<16xf32>,
      %broadcast_in_dim3A_161 = vector.broadcast %cond3A_84 : f32 to vector<16xf32>
      %select_n3A_162 = arith.select %lt3A_154, %gather3A, %broadcast_in_dim3A_161 : vector<16xi1>, vector<16xf32>
      %gather3A_163 = tpu.vector_load_idx %arg13[%select_n3A_160] : memref<256xi32, #tpu.memory_space<vmem>>[vector<16xi32>], vector<16xi32>,
      %broadcast_in_dim3A_164 = vector.broadcast %cond3A_85 : i32 to vector<16xi32>
      %select_n3A_165 = arith.select %lt3A_154, %gather3A_163, %broadcast_in_dim3A_164 : vector<16xi1>, vector<16xi32>
      %scan3A_166 = arith.constant 0 : i32
      %scan3A_167 = arith.constant 32 : i32
      %scan3A_168 = arith.addi %scan3A_166, %scan3A_167 : i32
      %scan3A_169 = arith.constant 1 : i32
      %scan3A_170:3 = scf.for %scan3A_176 = %scan3A_166 to %scan3A_168 step %scan3A_169 iter_args(%scan3A_177 = %select_n3A_162, %scan3A_178 = %select_n3A_165, %scan3A_179 = %select_n3A_160) -> (vector<16xf32>, vector<16xi32>, vector<16xi32>)  : i32 {
        %reduce_max3A = arith.constant true
        %reduce_max3A_180 = vector.broadcast %reduce_max3A : i1 to vector<16xi1>
        %reduce_max3A_181 = tpu.scan <max>, %scan3A_177 masked %reduce_max3A_180 : vector<16xf32>, vector<16xi1> -> vector<16xf32>
        %reduce_max3A_182 = vector.extract %reduce_max3A_181[15] : f32 from vector<16xf32>
        %eq3A_183 = vector.broadcast %reduce_max3A_182 : f32 to vector<16xf32>
        %eq3A_184 = arith.cmpf oeq, %scan3A_177, %eq3A_183 : vector<16xf32>
        %broadcast_in_dim3A_185 = vector.broadcast %cond3A_85 : i32 to vector<16xi32>
        %select_n3A_186 = arith.select %eq3A_184, %scan3A_178, %broadcast_in_dim3A_185 : vector<16xi1>, vector<16xi32>
        %reduce_min3A = arith.constant true
        %reduce_min3A_187 = vector.broadcast %reduce_min3A : i1 to vector<16xi1>
        %reduce_min3A_188 = arith.constant -2147483648 : i32
        %reduce_min3A_189 = vector.broadcast %reduce_min3A_188 : i32 to vector<16xi32>
        %reduce_min3A_190 = arith.xori %select_n3A_186, %reduce_min3A_189 : vector<16xi32>
        %reduce_min3A_191 = tpu.scan <min>, %reduce_min3A_190 masked %reduce_min3A_187 : vector<16xi32>, vector<16xi1> -> vector<16xi32>
        %reduce_min3A_192 = arith.xori %reduce_min3A_191, %reduce_min3A_189 : vector<16xi32>
        %reduce_min3A_193 = vector.extract %reduce_min3A_192[15] : i32 from vector<16xi32>
        %eq3A_194 = vector.broadcast %reduce_max3A_182 : f32 to vector<16xf32>
        %eq3A_195 = arith.cmpf oeq, %scan3A_177, %eq3A_194 : vector<16xf32>
        %eq3A_196 = vector.broadcast %reduce_min3A_193 : i32 to vector<16xi32>
        %eq3A_197 = arith.cmpi eq, %scan3A_178, %eq3A_196 : vector<16xi32>
        %and3A_198 = arith.andi %eq3A_195, %eq3A_197 : vector<16xi1>
        %add3A_199 = arith.constant 1 : i32
        %add3A_200 = vector.broadcast %add3A_199 : i32 to vector<16xi32>
        %add3A_201 = arith.addi %scan3A_179, %add3A_200 : vector<16xi32>
        %select_n3A_202 = arith.select %and3A_198, %add3A_201, %scan3A_179 : vector<16xi1>, vector<16xi32>
        %min3A = arith.constant 255 : i32
        %min3A_203 = vector.broadcast %min3A : i32 to vector<16xi32>
        %min3A_204 = arith.minsi %select_n3A_202, %min3A_203 : vector<16xi32>
        %gather3A_205 = tpu.vector_load_idx %arg12[%min3A_204] : memref<256xf32, #tpu.memory_space<vmem>>[vector<16xi32>], vector<16xf32>,
        %gather3A_206 = tpu.vector_load_idx %arg13[%min3A_204] : memref<256xi32, #tpu.memory_space<vmem>>[vector<16xi32>], vector<16xi32>,
        %add3A_207 = arith.constant 1 : i32
        %add3A_208 = vector.broadcast %add3A_207 : i32 to vector<16xi32>
        %add3A_209 = arith.addi %iota3A, %add3A_208 : vector<16xi32>
        %mul3A_210 = arith.constant 32 : i32
        %mul3A_211 = vector.broadcast %mul3A_210 : i32 to vector<16xi32>
        %mul3A_212 = arith.muli %add3A_209, %mul3A_211 : vector<16xi32>
        %ge3A_213 = arith.cmpi sge, %select_n3A_202, %mul3A_212 : vector<16xi32>
        %broadcast_in_dim3A_214 = vector.broadcast %cond3A_84 : f32 to vector<16xf32>
        %select_n3A_215 = arith.select %ge3A_213, %broadcast_in_dim3A_214, %gather3A_205 : vector<16xi1>, vector<16xf32>
        %select_n3A_216 = arith.select %and3A_198, %select_n3A_215, %scan3A_177 : vector<16xi1>, vector<16xf32>
        %broadcast_in_dim3A_217 = vector.broadcast %cond3A_85 : i32 to vector<16xi32>
        %select_n3A_218 = arith.select %ge3A_213, %broadcast_in_dim3A_217, %gather3A_206 : vector<16xi1>, vector<16xi32>
        %select_n3A_219 = arith.select %and3A_198, %select_n3A_218, %scan3A_178 : vector<16xi1>, vector<16xi32>
        %mul3A_220 = arith.constant 0 : i32
        %mul3A_221 = vector.broadcast %mul3A_220 : i32 to vector<16xi32>
        %mul3A_222 = arith.muli %iota3A, %mul3A_221 : vector<16xi32>
        %add3A_223 = vector.broadcast %scan3A_176 : i32 to vector<16xi32>
        %add3A_224 = arith.addi %add3A_223, %mul3A_222 : vector<16xi32>
        %broadcast_in_dim3A_225 = vector.broadcast %reduce_max3A_182 : f32 to vector<16xf32>
        %eq3A_226 = arith.constant 0 : i32
        %eq3A_227 = vector.broadcast %eq3A_226 : i32 to vector<16xi32>
        %eq3A_228 = arith.cmpi eq, %iota3A, %eq3A_227 : vector<16xi32>
        tpu.vector_store_idx %arg10[%add3A_224], %broadcast_in_dim3A_225 masked %eq3A_228 : memref<32xf32, #tpu.memory_space<vmem>>[vector<16xi32>], vector<16xf32>, vector<16xi1>
        %mul3A_229 = arith.constant 0 : i32
        %mul3A_230 = vector.broadcast %mul3A_229 : i32 to vector<16xi32>
        %mul3A_231 = arith.muli %iota3A, %mul3A_230 : vector<16xi32>
        %add3A_232 = vector.broadcast %scan3A_176 : i32 to vector<16xi32>
        %add3A_233 = arith.addi %add3A_232, %mul3A_231 : vector<16xi32>
        %broadcast_in_dim3A_234 = vector.broadcast %reduce_min3A_193 : i32 to vector<16xi32>
        %eq3A_235 = arith.constant 0 : i32
        %eq3A_236 = vector.broadcast %eq3A_235 : i32 to vector<16xi32>
        %eq3A_237 = arith.cmpi eq, %iota3A, %eq3A_236 : vector<16xi32>
        tpu.vector_store_idx %arg11[%add3A_233], %broadcast_in_dim3A_234 masked %eq3A_237 : memref<32xi32, #tpu.memory_space<vmem>>[vector<16xi32>], vector<16xi32>, vector<16xi1>
        scf.yield %select_n3A_216, %select_n3A_219, %select_n3A_202 : vector<16xf32>, vector<16xi32>, vector<16xi32>
      }
      %scan3A_171 = arith.constant 32 : i32
      %mul3A_172 = arith.constant 32 : i32
      %mul3A_173 = arith.muli %add3A, %mul3A_172 : i32
      "tpu.region"() ({
        %run_scoped3A = tpu.sem_alloc : memref<!tpu.dma_semaphore, #tpu.memory_space<semaphore_mem>>
        %dma_start3A = tpu.memref_slice %arg4[%mul3A_173] : memref<128xf32, #tpu.memory_space<hbm>> -> memref<32xf32, #tpu.memory_space<hbm>>
        %dma_start3A_176 = tpu.memref_slice %arg4[%mul3A_173] : memref<128xf32, #tpu.memory_space<hbm>> -> memref<32xf32, #tpu.memory_space<hbm>>
        tpu.enqueue_dma source(%arg10 : memref<32xf32, #tpu.memory_space<vmem>>) target(%dma_start3A_176 : memref<32xf32, #tpu.memory_space<hbm>>) target_semaphore(%run_scoped3A : memref<!tpu.dma_semaphore, #tpu.memory_space<semaphore_mem>>)
        %dma_wait3A = tpu.memref_slice %arg4[%mul3A_173] : memref<128xf32, #tpu.memory_space<hbm>> -> memref<32xf32, #tpu.memory_space<hbm>>
        %dma_wait3A_177 = tpu.memref_slice %arg4[%mul3A_173] : memref<128xf32, #tpu.memory_space<hbm>> -> memref<32xf32, #tpu.memory_space<hbm>>
        tpu.wait_dma2 semaphore(%run_scoped3A : memref<!tpu.dma_semaphore, #tpu.memory_space<semaphore_mem>>) src(%arg10 : memref<32xf32, #tpu.memory_space<vmem>>) dst(%dma_wait3A_177 : memref<32xf32, #tpu.memory_space<hbm>>)
        tpu.yield
      }) : () -> ()
      %mul3A_174 = arith.constant 32 : i32
      %mul3A_175 = arith.muli %add3A, %mul3A_174 : i32
      "tpu.region"() ({
        %run_scoped3A = tpu.sem_alloc : memref<!tpu.dma_semaphore, #tpu.memory_space<semaphore_mem>>
        %dma_start3A = tpu.memref_slice %arg5[%mul3A_175] : memref<128xi32, #tpu.memory_space<hbm>> -> memref<32xi32, #tpu.memory_space<hbm>>
        %dma_start3A_176 = tpu.memref_slice %arg5[%mul3A_175] : memref<128xi32, #tpu.memory_space<hbm>> -> memref<32xi32, #tpu.memory_space<hbm>>
        tpu.enqueue_dma source(%arg11 : memref<32xi32, #tpu.memory_space<vmem>>) target(%dma_start3A_176 : memref<32xi32, #tpu.memory_space<hbm>>) target_semaphore(%run_scoped3A : memref<!tpu.dma_semaphore, #tpu.memory_space<semaphore_mem>>)
        %dma_wait3A = tpu.memref_slice %arg5[%mul3A_175] : memref<128xi32, #tpu.memory_space<hbm>> -> memref<32xi32, #tpu.memory_space<hbm>>
        %dma_wait3A_177 = tpu.memref_slice %arg5[%mul3A_175] : memref<128xi32, #tpu.memory_space<hbm>> -> memref<32xi32, #tpu.memory_space<hbm>>
        tpu.wait_dma2 semaphore(%run_scoped3A : memref<!tpu.dma_semaphore, #tpu.memory_space<semaphore_mem>>) src(%arg11 : memref<32xi32, #tpu.memory_space<vmem>>) dst(%dma_wait3A_177 : memref<32xi32, #tpu.memory_space<hbm>>)
        tpu.yield
      }) : () -> ()
    } else {
    }
    return
  }
}

module attributes {stable_mosaic.version = 14 : i64} {
  func.func @_assemble_body(%arg0: memref<4x32x128xf32, #tpu.memory_space<vmem>>, %arg1: memref<4x32x1xf32, #tpu.memory_space<vmem>>, %arg2: memref<4x1x32xf32, #tpu.memory_space<vmem>>, %arg3: memref<1x1xf32, #tpu.memory_space<vmem>>) attributes {dimension_semantics = [], scalar_prefetch = 0 : i64, scratch_operands = 0 : i64, tpu.core_type = #tpu.core_type<tc>} {
    %get3A = arith.constant 0 : index
    %get3A_0 = arith.constant 0 : index
    %get3A_1 = arith.constant 0 : index
    %get3A_2 = vector.load %arg0[%get3A, %get3A_0, %get3A_1] : memref<4x32x128xf32, #tpu.memory_space<vmem>>, vector<4x32x128xf32>
    %get3A_3 = arith.constant 0 : index
    %get3A_4 = arith.constant 0 : index
    %get3A_5 = arith.constant 0 : index
    %get3A_6 = vector.load %arg1[%get3A_3, %get3A_4, %get3A_5] : memref<4x32x1xf32, #tpu.memory_space<vmem>>, vector<4x32x1xf32>
    %get3A_7 = arith.constant 0 : index
    %get3A_8 = arith.constant 0 : index
    %get3A_9 = arith.constant 0 : index
    %get3A_10 = vector.load %arg2[%get3A_7, %get3A_8, %get3A_9] : memref<4x1x32xf32, #tpu.memory_space<vmem>>, vector<4x1x32xf32>
    %iota3A = tpu.iota {dimensions = array<i32: 1>} : vector<4x32x1xi32>
    %iota3A_11 = tpu.iota {dimensions = array<i32: 2>} : vector<4x1x32xi32>
    %lt3A = vector.broadcast %get3A_10 : vector<4x1x32xf32> to vector<4x32x32xf32>
    %lt3A_12 = vector.broadcast %get3A_6 : vector<4x32x1xf32> to vector<4x32x32xf32>
    %lt3A_13 = arith.cmpf olt, %lt3A, %lt3A_12 : vector<4x32x32xf32>
    %eq3A = vector.broadcast %get3A_10 : vector<4x1x32xf32> to vector<4x32x32xf32>
    %eq3A_14 = vector.broadcast %get3A_6 : vector<4x32x1xf32> to vector<4x32x32xf32>
    %eq3A_15 = arith.cmpf oeq, %eq3A, %eq3A_14 : vector<4x32x32xf32>
    %lt3A_16 = vector.broadcast %iota3A_11 : vector<4x1x32xi32> to vector<4x32x32xi32>
    %lt3A_17 = vector.broadcast %iota3A : vector<4x32x1xi32> to vector<4x32x32xi32>
    %lt3A_18 = arith.cmpi slt, %lt3A_16, %lt3A_17 : vector<4x32x32xi32>
    %and3A = arith.andi %eq3A_15, %lt3A_18 : vector<4x32x32xi1>
    %or3A = arith.ori %lt3A_13, %and3A : vector<4x32x32xi1>
    %convert_element_type3A = arith.extui %or3A : vector<4x32x32xi1> to vector<4x32x32xi32>
    %reduce_sum3A = arith.constant dense<0> : vector<4x32xi32>
    %reduce_sum3A_19 = vector.multi_reduction <add>, %convert_element_type3A, %reduce_sum3A [2] : vector<4x32x32xi32> to vector<4x32xi32>
    %broadcast_in_dim3A = vector.shape_cast %reduce_sum3A_19 : vector<4x32xi32> to vector<4x32x1xi32>
    %eq3A_20 = vector.broadcast %broadcast_in_dim3A : vector<4x32x1xi32> to vector<4x32x32xi32>
    %eq3A_21 = vector.broadcast %iota3A_11 : vector<4x1x32xi32> to vector<4x32x32xi32>
    %eq3A_22 = arith.cmpi eq, %eq3A_20, %eq3A_21 : vector<4x32x32xi32>
    %convert_element_type3A_23 = arith.extui %eq3A_22 : vector<4x32x32xi1> to vector<4x32x32xi32>
    %convert_element_type3A_24 = arith.sitofp %convert_element_type3A_23 : vector<4x32x32xi32> to vector<4x32x32xf32>
    %dot_general3A = arith.constant dense<0.000000e+00> : vector<4x32x128xf32>
    %dot_general3A_25 = tpu.matmul %convert_element_type3A_24, %get3A_2, %dot_general3A {dimension_numbers = #tpu.dot_dimension_numbers<[1], [1], [2], [2], [0, 0, 0, 2, 1, 2], [0], [0]>, precision = #tpu.contract_precision<fp32>, transpose_lhs_hint = false} : vector<4x32x32xf32>, vector<4x32x128xf32>, vector<4x32x128xf32> -> vector<4x32x128xf32>
    %slice3A = vector.extract_strided_slice %dot_general3A_25 {offsets = [0, 0, 0], sizes = [2, 32, 128], strides = [1, 1, 1]} : vector<4x32x128xf32> to vector<2x32x128xf32>
    %slice3A_26 = vector.extract_strided_slice %dot_general3A_25 {offsets = [2, 0, 0], sizes = [2, 32, 128], strides = [1, 1, 1]} : vector<4x32x128xf32> to vector<2x32x128xf32>
    %sub3A = arith.subf %slice3A, %slice3A_26 : vector<2x32x128xf32>
    %mul3A = arith.mulf %sub3A, %sub3A : vector<2x32x128xf32>
    %reduce_sum3A_27 = vector.shape_cast %mul3A : vector<2x32x128xf32> to vector<1x2x32x128xf32>
    %reduce_sum3A_28 = arith.constant dense<0.000000e+00> : vector<1xf32>
    %reduce_sum3A_29 = vector.multi_reduction <add>, %reduce_sum3A_27, %reduce_sum3A_28 [1, 2, 3] : vector<1x2x32x128xf32> to vector<1xf32>
    %reduce_sum3A_30 = vector.shape_cast %reduce_sum3A_29 : vector<1xf32> to vector<1x1x1x1xf32>
    %reduce_sum3A_31 = vector.extract %reduce_sum3A_30[0, 0, 0, 0] : f32 from vector<1x1x1x1xf32>
    %broadcast_in_dim3A_32 = vector.broadcast %reduce_sum3A_31 : f32 to vector<1x1x1xf32>
    %reshape3A = vector.shape_cast %broadcast_in_dim3A_32 : vector<1x1x1xf32> to vector<1x1xf32>
    %div3A = arith.constant 8.192000e+03 : f32
    %div3A_33 = vector.broadcast %div3A : f32 to vector<1x1xf32>
    %div3A_34 = arith.divf %reshape3A, %div3A_33 : vector<1x1xf32>
    %swap3A = arith.constant 0 : index
    %swap3A_35 = arith.constant 0 : index
    %swap3A_36 = vector.load %arg3[%swap3A, %swap3A_35] : memref<1x1xf32, #tpu.memory_space<vmem>>, vector<1x1xf32>
    tpu.vector_store %arg3[%swap3A, %swap3A_35], %div3A_34 {strides = array<i32>} : memref<1x1xf32, #tpu.memory_space<vmem>>, vector<1x1xf32>,
    return
  }
}

</mosaic_0001>

<sc_bundles>
// kernel: kernel.4.cloned.1.call-start
scs
__scs_entry_jumppad:
0x0: {  	(pc) =	sbr.rel $0x88, $3  }
0x1: {  	(tag) =	ssettag $0x0;
	lr =	simm.s32 $0x1  }
0x2: {  	[smem:$0x3F9D] =	sst lr;
	_ =	strace $0xD0000000  }
0x3: {  	_ = 	snop  }
0x4: {  	_ = 	snop  }
0x5: {  	_ = 	snop  }
0x6: {  	_ = 	snop  }
0x7: {  	_ = 	snop  }
__scs_overlays_trampoline_lowered:
0x8: {  	[smem:$0x3FAC] =	sst s0  }
0x9: {  	[smem:$0x3FAD] =	sst s1  }
0xa: {  	[smem:$0x3FAE] =	sst s2  }
0xb: {  	[smem:$0x3FAF] =	sst s3  }
0xc: {  	[smem:$0x3FB0] =	sst s4  }
0xd: {  	[smem:$0x3FB1] =	sst s5  }
0xe: {  	[smem:$0x3FB2] =	sst s6  }
0xf: {  	[smem:$0x3FB3] =	sst s7  }
0x10: {  	[smem:$0x3FB4] =	sst s8  }
0x11: {  	[smem:$0x3FB5] =	sst s9;
	s0 =	simm.s32 @!p0 $0x0  }
0x12: {  	s1 =	sld [smem:$0x3F9B];
	s0 =	simm.s32 @p0 $0x1  }
0x13: {  	[smem:$0x3FB6] =	sst s0;
	s0 =	simm.s32 @!p1 $0x0  }
0x14: {  	s2 =	sld [smem:$0x3F9A];
	s0 =	simm.s32 @p1 $0x1  }
0x15: {  	[smem:$0x3FB7] =	sst s0;
	s0 =	simm.s32 @!p2 $0x0  }
0x16: {  	s3 =	sld [smem:$0x3FDB];
	s0 =	simm.s32 @p2 $0x1  }
0x17: {  	s4 =	simm.s32 $0x1BF5;
	[smem:$0x3FB9] =	sst s0  }
0x18: {  	s0 =	sld [smem:$0x3F9C];
	_ =	swait.ge [sflag:s4], $0x0  }
0x19: {  	s7 =	sld [smem:$0x3F9D]  }
0x1a: {  	s8 =	sadd.s32 $0xFFFFE003, lr  }
0x1b: {  	s9 =	sadd.s32 $0xFFFFFEF7, lr;
	s5 =	simm.s32 $0xFFFFFFFF;
	p2 =	slt.u32 s8, $0xFFFFF086  }
0x1c: {  	p1 =	slt.u32 s9, $0xF7A;
	s5 =	simm.s32 @!p2 $0x0  }
0x1d: {  	s5 =	simm.s32 @p1 $0x1;
	p0 =	seq.s32 s7, s2  }
0x1e: {  	s7 =	smul.u32 @!p0 $0xF7A, s2;
	p2 =	seq.s32 @!p0 s5, $0x0  }
0x1f: {  	s9 =	smul.u32 $0xF7A, s1;
	s8 =	simm.s32 @!p0 $0x1BF5;
	p2 =	por !p2, p0  }
0x20: {  	[sflag:s8] =	ssyncset.s32 @!p0 $0xFFFFF086;
	s6 =	sadd.s32 @!p0 s3, s7;
	s7 =	simm.s32 @!p0 $0x108  }
0x21: {  	s3 =	sadd.s32 s3, s9;
	s6 =	sadd.s32 @!p0 $0x88, s6;
	s7 =	simm.s32 @p2 $0x1082  }
0x22: {  	[simem:s7], [sflag:s8] =	dma.local @!p0 [hbm:s6], $0xF7A  }
0x23: {  	s9 =	sor.u32 $0xD0000000, s2;
	s6 =	simm.s32 $0x108;
	_ =	swait.ge @!p0 [sflag:s8], $0x0  }
0x24: {  	s3 =	sadd.s32 $0x88, s3;
	s6 =	simm.s32 @!p1 $0x1082;
	[sflag:s4] =	ssyncset.s32 $0xFFFFF086  }
0x25: {  	[simem:s6], [sflag:s4] =	dma.local [hbm:s3], $0xF7A  }
0x26: {  	[smem:$0x3F9D] =	sst s1;
	(tag) =	ssettag s2;
	_ =	strace s9  }
0x27: {  	s1 =	sld [smem:$0x3FAD]  }
0x28: {  	s2 =	sld [smem:$0x3FAE]  }
0x29: {  	s4 =	sld [smem:$0x3FB0]  }
0x2a: {  	p0 =	seq.s32 s5, $0x0;
	s5 =	sld [smem:$0x3FB1]  }
0x2b: {  	s6 =	sld [smem:$0x3FB2]  }
0x2c: {  	s7 =	sld [smem:$0x3FB3]  }
0x2d: {  	s3 =	simm.s32 $0x108;
	s8 =	sld [smem:$0x3FB4]  }
0x2e: {  	s3 =	simm.s32 @!p0 $0x1082;
	s9 =	sld [smem:$0x3FB5]  }
0x2f: {  	lr =	sadd.s32 s0, s3;
	s0 =	sld [smem:$0x3FAC]  }
0x30: {  	s3 =	sld [smem:$0x3FAF]  }
0x31: {  	[smem:$0x3FB8] =	sst s10  }
0x32: {  	s10 =	sld [smem:$0x3FB6];
	_ =	sdelay $0x3  }
0x33: {  	p0 =	seq.s32 s10, $0x1;
	s10 =	sld [smem:$0x3FB8];
	_ =	sdelay $0x3  }
0x34: {  	[smem:$0x3FB8] =	sst s10  }
0x35: {  	s10 =	sld [smem:$0x3FB7];
	_ =	sdelay $0x3  }
0x36: {  	p1 =	seq.s32 s10, $0x1;
	s10 =	sld [smem:$0x3FB8];
	_ =	sdelay $0x3  }
0x37: {  	[smem:$0x3FB8] =	sst s10  }
0x38: {  	s10 =	sld [smem:$0x3FB9]  }
0x39: {  	_ = 	snop;
	(pc) =	sbr.ind lr, $3  }
0x3a: {  	_ = 	snop  }
0x3b: {  	_ = 	snop  }
0x3c: {  	p2 =	seq.s32 s10, $0x1;
	s10 =	sld [smem:$0x3FB8]  }
0x3d: {  	_ =	shalt  }
0x3e: {  	_ =	shalt  }
0x3f: {  	_ =	shalt  }
0x40: {  	_ =	shalt  }
0x41: {  	_ =	shalt  }
0x42: {  	_ =	shalt  }
0x43: {  	_ =	shalt  }
0x44: {  	_ =	shalt  }
0x45: {  	_ =	shalt  }
0x46: {  	_ =	shalt  }
0x47: {  	_ =	shalt  }
0x48: {  	_ =	shalt  }
0x49: {  	_ =	shalt  }
0x4a: {  	_ =	shalt  }
0x4b: {  	_ =	shalt  }
0x4c: {  	_ =	shalt  }
0x4d: {  	_ =	shalt  }
0x4e: {  	_ =	shalt  }
0x4f: {  	_ =	shalt  }
0x50: {  	_ =	shalt  }
0x51: {  	_ =	shalt  }
0x52: {  	_ =	shalt  }
0x53: {  	_ =	shalt  }
0x54: {  	_ =	shalt  }
0x55: {  	_ =	shalt  }
0x56: {  	_ =	shalt  }
0x57: {  	_ =	shalt  }
0x58: {  	_ =	shalt  }
0x59: {  	_ =	shalt  }
0x5a: {  	_ =	shalt  }
0x5b: {  	_ =	shalt  }
0x5c: {  	_ =	shalt  }
0x5d: {  	_ =	shalt  }
0x5e: {  	_ =	shalt  }
0x5f: {  	_ =	shalt  }
0x60: {  	_ =	shalt  }
0x61: {  	_ =	shalt  }
0x62: {  	_ =	shalt  }
0x63: {  	_ =	shalt  }
0x64: {  	_ =	shalt  }
0x65: {  	_ =	shalt  }
0x66: {  	_ =	shalt  }
0x67: {  	_ =	shalt  }
0x68: {  	_ =	shalt  }
0x69: {  	_ =	shalt  }
0x6a: {  	_ =	shalt  }
0x6b: {  	_ =	shalt  }
0x6c: {  	_ =	shalt  }
0x6d: {  	_ =	shalt  }
0x6e: {  	_ =	shalt  }
0x6f: {  	_ =	shalt  }
0x70: {  	_ =	shalt  }
0x71: {  	_ =	shalt  }
0x72: {  	_ =	shalt  }
0x73: {  	_ =	shalt  }
0x74: {  	_ =	shalt  }
0x75: {  	_ =	shalt  }
0x76: {  	_ =	shalt  }
0x77: {  	_ =	shalt  }
0x78: {  	_ =	shalt  }
0x79: {  	_ =	shalt  }
0x7a: {  	_ =	shalt  }
0x7b: {  	_ =	shalt  }
0x7c: {  	_ =	shalt  }
0x7d: {  	_ =	shalt  }
0x7e: {  	_ =	shalt  }
0x7f: {  	_ =	shalt  }
0x80: {  	_ =	shalt  }
0x81: {  	_ =	shalt  }
0x82: {  	_ =	shalt  }
0x83: {  	_ =	shalt  }
0x84: {  	_ =	shalt  }
0x85: {  	_ =	shalt  }
0x86: {  	_ =	shalt  }
0x87: {  	_ =	shalt  }
.Lfunc_end0:
.L_simem_size_0:
called_computation_lowered:
.L_overlay_start_0:
0x88: {  	s2 =	sld [smem:$0x3FD9]  }
0x89: {  	s3 =	sld [smem:$0x3FFE];
	_ =	sdelay $0x1  }
0x8a: {  	s1 =	srdreg.scid  }
0x8b: {  	s0 =	sand.u32 $0x1, s1  }
0x8c: {  	s17 =	sshll.u32 s0, $0xA;
	s2 =	sadd.s32 s3, s2  }
0x8d: {  	s2 =	sadd.s32 s2, s17  }
0x8e: {  	[smem:$0x3FC4] =	sst s2  }
0x8f: {  	_ = 	snop  }
0x90: {  	s2 =	sld [smem:$0x3FD0];
	(tm) =	ssettm $0x1  }
0x91: {  	s18 =	sld [smem:$0x3FFB];
	_ =	sdelay $0x3  }
0x92: {  	_ =	strace s18  }
0x93: {  	s3 =	sld [smem:$0x3FFC];
	_ =	sdelay $0x3  }
0x94: {  	_ =	strace s3  }
0x95: {  	s3 =	sld [smem:$0x3FFD];
	_ =	sdelay $0x3  }
0x96: {  	_ =	strace s3  }
0x97: {  	_ =	strace $0x8FFFFFFF  }
0x98: {  	s19 =	sld [smem:$0x3FDB];
	_ =	sdelay $0x1  }
0x99: {  	s4 =	simm.s32 $_scs_section_size  }
0x9a: {  	s5 =	simm.s32 $_size__tile_overlayer_lowered;
	s6 =	simm.s32 $_tile_overlayer_lowered  }
0x9b: {  	s22 =	simm.s32 $0x1BFF;
	s21 =	sshll.u32 s6, $0x1;
	s3 =	sadd.s32 s4, s19  }
0x9c: {  	s7 =	simm.s32 $0x0;
	s20 =	sshll.u32 s5, $0x1;
	s5 =	sadd.s32 s21, s3  }
0x9d: {  	[timem:s7], [sflag:s22] =	dma.local [hbm:s5], s20  }
0x9e: {  	_ =	swait.ge [sflag:s22], s20  }
0x9f: {  	s4 =	ssub.s32 $0x0, s20;
	[sflag:s22] =	ssyncset.done $0x0  }
0xa0: {  	[sflag:s22] =	ssyncadd.s32 s4;
	_ =	sdelay $0x1  }
0xa1: {  	s23 =	simm.s32 $0x1B8B  }
0xa2: {  	_ =	swait.ge [sflag:s23], $0x1  }
0xa3: {  	[sflag:s23] =	ssyncset.done $0x0  }
0xa4: {  	s25 =	simm.s32 $0x1B8E;
	s24 =	sld [smem:$0x3FFE];
	[sflag:s23] =	ssyncadd.s32 $0xFFFFFFFF  }
0xa5: {  	s26 =	simm.s32 $execute0_lowered;
	[smem:$0x3FD2] =	sst s25  }
0xa6: {  	s5 =	sshll.u32 s26, $0x1;
	_ =	strace $0x80000046;
	[dreg:$0x1] =	wrdreg $0xFFFFFFFF  }
0xa7: {  	s28 =	simm.s32 $_size_execute0_lowered;
	s3 =	sadd.s32 s3, s5;
	[dreg:$0x0] =	wrdreg $0x0  }
0xa8: {  	s5 =	sshll.u32 s28, $0x1;
	[dreg:$0x2] =	wrdreg s3  }
0xa9: {  	[dreg:$0x3] =	wrdreg s5  }
0xaa: {  	[dreg:$0x4] =	wrdreg $0xC0  }
0xab: {  	_ =	task [dreg:s7], $0x5FFFF  }
0xac: {  	[dreg:$0x1] =	wrdreg $0xFFFFFFFF  }
0xad: {  	[dreg:$0x0] =	wrdreg $0x60  }
0xae: {  	[dreg:$0x2] =	wrdreg s24  }
0xaf: {  	[dreg:$0x3] =	wrdreg s2  }
0xb0: {  	[dreg:$0x4] =	wrdreg $0x9  }
0xb1: {  	_ =	task.clear_ibuf [dreg:s7], $0x5FFFF;
	_ =	strace $0x90000046  }
0xb2: {  	s29 =	simm.s32 $0x9;
	_ =	strace $0x80000048  }
0xb3: {  	_ =	swait.ge [sflag:s29], $0x1  }
0xb4: {  	[sflag:s29] =	ssyncadd.s32 $0xFFFFFFFF  }
0xb5: {  	_ =	strace $0x90000048  }
0xb6: {  	_ =	sfence  }
0xb7: {  	s30 =	sld [smem:$0x0];
	_ =	sdelay $0x2  }
0xb8: {  	s31 =	sshll.u32 s1, $0xD;
	s1 =	sshrl.u32 s1, $0x2  }
0xb9: {  	s3 =	sand.u32 $0x4000, s31;
	s1 =	sadd.s32 s1, s30  }
0xba: {  	s0 =	sor.u32 s3, s0;
	s1 =	sshll.u32 s1, $0x11  }
0xbb: {  	s0 =	sor.u32 s1, s0  }
0xbc: {  	s0 =	sadd.s32 $0x8F2B, s0  }
0xbd: {  	[sflag:s0] =	ssyncadd.remote.s32 $0x1  }
0xbe: {  	_ =	sfence.sel $0xFFFF  }
0xbf: {  	[dreg:$0x0] =	wrdreg $0xFFFFFFFF;
	(pc) =	sbr.abs _section_cstart, $3  }
0xc0: {  	[dreg:$0x1] =	wrdreg $0xFFFFFFFF  }
0xc1: {  	_ =	task.clear_ibuf [dreg:s7], $0x2FFFF;
	_ =	strace $0x9FFFFFFF  }
0xc2: {  	(tm) =	ssettm $0x7FFFFFFF  }
0xc3: {  	_ =	shalt  }
tec
execute0_lowered:
.L_overlay_start_1:
0x0: {  	(tag) =	ssettag $0x1  }
0x1: {  	s0 =	srdreg.scid  }
0x2: {  	s20 =	stileid.u32;
	s1 =	rddreg [dreg:$0x0]  }
0x3: {  	s6 =	rddreg [dreg:$0x1];
	s2 =	simm.s32 $0x0;
	s28 =	simm.s32 $0x8280  }
0x4: {  	s29 =	simm.s32 $0x8300;
	s30 =	simm.s32 $0x8400;
	s0 =	sand.u32 $0x1, s0  }
0x5: {  	s5 =	sshrl.u32 s20, $0x3;
	s17 =	sadd.s32 $0x21600, s1;
	s10 =	sshll.u32 s20, $0x2  }
0x6: {  	s18 =	sadd.s32 $0x21800, s1;
	s31 =	sand.u32 $0x7, s20;
	[smem:$0x7FF] =	sst s2  }
0x7: {  	s3 =	sshll.u32 s0, $0x3;
	s4 =	sshll.u32 s5, $0x2;
	s12 =	ssub.s32 $0x2, s0  }
0x8: {  	s9 =	sshll.u32 s0, $0x6;
	p0 =	seq.s32 s0, $0x0;
	s5 =	sshll.u32 s5, $0x12  }
0x9: {  	s20 =	sshll.u32 s31, $0xF;
	s7 =	sor.u32 s3, s4;
	s13 =	sshrl.u32 s12, $0x1  }
0xa: {  	s16 =	sor.u32 s10, s9;
	s5 =	sor.u32 s20, s5;
	s8 =	sadd.s32 s7, s1  }
0xb: {  	s22 =	ssub.s32 s12, s13;
	s3 =	sadd.s32 s17, s16;
	s14 =	sor.u32 $0x4, s16  }
0xc: {  	s4 =	sadd.s32 s18, s16;
	s19 =	sor.u32 $0x8, s16;
	s23 =	sor.u32 $0xC, s16  }
0xd: {  	s12 =	sor.u32 $0x10, s16;
	s25 =	sor.u32 $0x14, s16;
	s26 =	sor.u32 $0x1C, s16  }
0xe: {  	s5 =	sshrl.u32 s5, $0x3;
	s15 =	sadd.s32 s17, s14;
	s0 =	sadd.s32 s18, s14  }
0xf: {  	s21 =	sadd.s32 s17, s19;
	s9 =	sadd.s32 s18, s19;
	[dreg:$0x3] =	wrdreg s15  }
0x10: {  	s24 =	sadd.s32 s17, s23;
	s11 =	sadd.s32 s17, s12;
	[dreg:$0x4] =	wrdreg s0  }
0x11: {  	s12 =	sadd.s32 s18, s12;
	s13 =	sadd.s32 s17, s25;
	[dreg:$0x5] =	wrdreg s21  }
0x12: {  	v0 =	vimm.s32 $0x0;
	v1 =	vlaneseq.u32;
	s19 =	sor.u32 $0x18, s16;
	s14 =	sadd.s32 s18, s25;
	[dreg:$0x6] =	wrdreg s9  }
0x13: {  	vm0 =	vcmask $0x300;
	v7 =	vimm.s32 $0x60402080;
	v9 =	vimm.s32 $0xE0C0A000;
	s22 =	smax.u32 s22, $0x1;
	s25 =	simm.s32 $0x8000;
	[dreg:$0x7] =	wrdreg s24  }
0x14: {  	v2 =	vmul.u32 $0x10, v1;
	v3 =	vor.u32 $0x80000010, v1;
	v4 =	vsel vm0, $0x7, v0;
	s0 =	sadd.s32 s18, s23;
	s15 =	sadd.s32 s17, s19;
	s16 =	sadd.s32 s18, s19  }
.Ltmp0:
0x15: {  	v5 =	vor.u32 $0x70, v1;
	v8 =	vunpack.c.0.s8.s32 v7;
	v7 =	vor.u32 $0x80000000, v1;
	s17 =	sadd.s32 s17, s26;
	s18 =	sadd.s32 s18, s26;
	(pc) =	sbr.rel .LBB2_1-.Ltmp0, $4  }
0x16: {  	vm0 =	vcmask $0x1304;
	v9 =	vunpack.c.0.s8.s32 v9;
	v11 =	vmul.u32 $0x20, v1;
	s19 =	sadd.s32 s6, s7;
	s6 =	simm.s32 $0x1600;
	s21 =	sadd.s32 $0x21A00, s8  }
0x17: {  	v6 =	vor.u32 $0x100, v2;
	v10 =	vnsel vm0, $0x0, v8;
	vm0 =	vcmask $0x2314;
	s24 =	simm.s32 $0x1;
	s26 =	simm.s32 $0x8200;
	s6 =	simm.s32 @!p0 $0x11600  }
0x18: {  	v8 =	vimm.f32 $-Inf;
	v11 =	vor.u32 $0x1F, v11;
	v10 =	vsel vm0, v9, v10;
	[dreg:$0x8] =	wrdreg s0;
	p0 =	sne.s32 s31, $0x0;
	s1 =	sadd.s32 s6, s1  }
0x19: {  	v9 =	vor.u32 $0x10, v1;
	vm0 =	vmmov $0xff;
	v10 =	vand.u32 $0xFF, v10;
	s0 =	simm.s32 $0x0;
	_ =	strace $0x80000047;
	s23 =	sadd.s32 s1, s5  }
.LBB2_11:
0x1a: {  	s0 =	sadd.s32 $0x1, s0  }
0x1b: {  	p1 =	sne.s32 s0, s22  }
.Ltmp1:
0x1c: {  	_ = 	snop;
	(pc) =	sbr.rel @!p1 .LBB2_12-.Ltmp1, $1  }
0x1d: {  	_ =	sdelay $0x3  }
.LBB2_1:
0x1e: {  	[tilespmem:s2], [sflag:$0x1] =	stream.linear.gather [hbm4b:s23+s2], $0x8000, $0x38;
	[tilespmem:$0x8500] =	vst v63  }
0x1f: {  	_ =	swait.ge [sflag:s24], $0x8000  }
0x20: {  	[sflag:s24] =	ssyncset.done $0x0  }
0x21: {  	s31 =	simm.s32 $0x0;
	v12 =	vimm.f32 $-Inf;
	s1 =	simm.s32 $0x0;
	[sflag:s24] =	ssyncadd.s32 $0xFFFF8000  }
.LBB2_2:
0x22: {  	s6 =	sadd.s32 $0x0, s31  }
0x23: {  	v13 =	vmov s6  }
0x24: {  	v13 =	vshrl.u32 v13, $0x7  }
0x25: {  	v13 =	vshll.u32 v13, v4  }
0x26: {  	s5 =	sadd.s32 $0x10, s6;
	v13 =	vbroadcast v13, $0x0  }
0x27: {  	v15 =	vor.u32 s5, v1  }
0x28: {  	s10 =	sadd.s32 $0x20, s6;
	v14 =	vor.u32 v1, v13  }
0x29: {  	s7 =	sadd.s32 $0x30, s6;
	v16 =	vor.u32 s10, v1  }
0x2a: {  	s8 =	sadd.s32 $0x40, s6;
	v17 =	vor.u32 s7, v1  }
0x2b: {  	s9 =	sadd.s32 $0x50, s6;
	v19 =	vor.u32 s8, v1  }
0x2c: {  	v20 =	vor.u32 s9, v1;
	s7 =	sadd.s32 $0x60, s6;
	v15 =	vld.idx.msk [tilespmem:v15+s2+$0x0], $0xffff  }
0x2d: {  	v25 =	vor.u32 s7, v1;
	v18 =	vld.idx.msk [tilespmem:v14+s2+$0x0], $0xffff  }
0x2e: {  	s10 =	sadd.s32 $0x80, s6;
	s9 =	sadd.s32 $0x90, s6;
	v22 =	vor.u32 v5, v13;
	v16 =	vld.idx.msk [tilespmem:v16+s2+$0x0], $0xffff  }
0x2f: {  	s5 =	sadd.s32 $0x100, s31;
	v24 =	vor.u32 s10, v1;
	v23 =	vor.u32 s9, v1;
	s9 =	sadd.s32 $0xA0, s6;
	v17 =	vld.idx.msk [tilespmem:v17+s2+$0x0], $0xffff  }
0x30: {  	v27 =	vimm.f32 $-Inf;
	s8 =	sadd.s32 $0xD0, s6;
	v21 =	vmov s5;
	s7 =	sadd.s32 $0xC0, s6;
	s10 =	sadd.s32 $0xF0, s6;
	v26 =	vor.u32 s9, v1;
	v19 =	vld.idx.msk [tilespmem:v19+s2+$0x0], $0xffff  }
0x31: {  	v28 =	vmov s10;
	v13 =	vor.u32 s8, v1;
	s8 =	sadd.s32 $0xB0, s6;
	v20 =	vld.idx.msk [tilespmem:v20+s2+$0x0], $0xffff;
	v14 =	vor.u32 s7, v1;
	s7 =	simm.s32 $0x200  }
.LBB2_3:
0x32: {  	p1 =	sne.s32 s7, $0x300;
	v18 =	vmax.f32 v27, v18;
	v25 =	vld.idx.msk [tilespmem:v25+s2+$0x0], $0xffff;
	v27 =	vor.u32 s8, v1;
	v28 =	vshrl.u32 v28, $0x7  }
0x33: {  	v21 =	vshrl.u32 v21, $0x7;
	v15 =	vmax.f32 v18, v15;
	v18 =	vld.idx.msk [tilespmem:v22+s2+$0x0], $0xffff;
	v22 =	vshll.u32 v28, v4  }
0x34: {  	s8 =	sadd.s32 $0xE0, s6;
	s6 =	smov.u32 s5;
	v21 =	vshll.u32 v21, v4;
	v15 =	vmax.f32 v15, v16;
	v16 =	vld.idx.msk [tilespmem:v24+s2+$0x0], $0xffff;
	v22 =	vbroadcast v22, $0x0  }
0x35: {  	v24 =	vbroadcast v21, $0x0;
	v21 =	vor.u32 s8, v1;
	v15 =	vmax.f32 v15, v17;
	v17 =	vld.idx.msk [tilespmem:v23+s2+$0x0], $0xffff  }
0x36: {  	v15 =	vmax.f32 v15, v19;
	v19 =	vld.idx.msk [tilespmem:v26+s2+$0x0], $0xffff;
	v22 =	vor.u32 v5, v22  }
0x37: {  	s5 =	sadd.s32 $0x10, s6;
	v23 =	vor.u32 v1, v24;
	v15 =	vmax.f32 v15, v20;
	v20 =	vld.idx.msk [tilespmem:v27+s2+$0x0], $0xffff  }
0x38: {  	v26 =	vor.u32 s5, v1;
	s5 =	sadd.s32 $0x20, s6;
	v15 =	vmax.f32 v15, v25;
	v14 =	vld.idx.msk [tilespmem:v14+s2+$0x0], $0xffff  }
0x39: {  	v27 =	vor.u32 s5, v1;
	s5 =	sadd.s32 $0x30, s6;
	v15 =	vmax.f32 v15, v18;
	v28 =	vld.idx.msk [tilespmem:v13+s2+$0x0], $0xffff  }
0x3a: {  	v13 =	vor.u32 s5, v1;
	s5 =	sadd.s32 $0x40, s6;
	v15 =	vmax.f32 v15, v16;
	v29 =	vld.idx.msk [tilespmem:v21+s2+$0x0], $0xffff  }
0x3b: {  	v30 =	vor.u32 s5, v1;
	s5 =	sadd.s32 $0x50, s6;
	v15 =	vmax.f32 v15, v17;
	v31 =	vld.idx.msk [tilespmem:v22+s2+$0x0], $0xffff  }
0x3c: {  	s8 =	sadd.s32 $0x60, s6;
	v32 =	vor.u32 s5, v1;
	v18 =	vld.idx.msk [tilespmem:v23+s2+$0x0], $0xffff;
	v16 =	vmax.f32 v15, v19  }
.Ltmp2:
0x3d: {  	v25 =	vor.u32 s8, v1;
	s5 =	sadd.s32 s7, s31;
	v15 =	vld.idx.msk [tilespmem:v26+s2+$0x0], $0xffff;
	v17 =	vmax.f32 v16, v20;
	(pc) =	sbr.rel @p1 .LBB2_3-.Ltmp2, $4  }
0x3e: {  	s9 =	sadd.s32 $0xD0, s6;
	s8 =	sadd.s32 $0x80, s6;
	v22 =	vor.u32 v5, v24;
	v21 =	vmov s5;
	v16 =	vld.idx.msk [tilespmem:v27+s2+$0x0], $0xffff;
	v14 =	vmax.f32 v17, v14  }
0x3f: {  	s10 =	sadd.s32 $0xC0, s6;
	v24 =	vor.u32 s8, v1;
	s8 =	sadd.s32 $0x90, s6;
	v17 =	vld.idx.msk [tilespmem:v13+s2+$0x0], $0xffff;
	v13 =	vor.u32 s9, v1;
	v20 =	vmax.f32 v14, v28  }
0x40: {  	v23 =	vor.u32 s8, v1;
	s8 =	sadd.s32 $0xA0, s6;
	v14 =	vor.u32 s10, v1;
	s9 =	sadd.s32 $0xF0, s6;
	v19 =	vld.idx.msk [tilespmem:v30+s2+$0x0], $0xffff;
	v27 =	vmax.f32 v20, v29  }
0x41: {  	s7 =	sadd.s32 $0x100, s7;
	v26 =	vor.u32 s8, v1;
	s8 =	sadd.s32 $0xB0, s6;
	v28 =	vmov s9;
	v20 =	vld.idx.msk [tilespmem:v32+s2+$0x0], $0xffff;
	v27 =	vmax.f32 v27, v31  }
0x42: {  	_ =	sdelay $0x2  }
0x43: {  	v18 =	vmax.f32 v27, v18  }
0x44: {  	v25 =	vld.idx.msk [tilespmem:v25+s2+$0x0], $0xffff;
	v63 =	vor.u32 s8, v1;
	v28 =	vshrl.u32 v28, $0x7;
	v15 =	vmax.f32 v18, v15  }
0x45: {  	v32 =	vshrl.u32 v21, $0x7;
	v33 =	vld.idx.msk [tilespmem:v22+s2+$0x0], $0xffff;
	v34 =	vshll.u32 v28, v4;
	v15 =	vmax.f32 v15, v16  }
0x46: {  	v36 =	vld.idx.msk [tilespmem:v24+s2+$0x0], $0xffff;
	s6 =	sadd.s32 $0xE0, s6;
	v35 =	vshll.u32 v32, v4;
	v22 =	vbroadcast v34, $0x0;
	v15 =	vmax.f32 v15, v17  }
0x47: {  	v37 =	vld.idx.msk [tilespmem:v23+s2+$0x0], $0xffff;
	v38 =	vor.u32 s6, v1;
	v16 =	vbroadcast v35, $0x0;
	v15 =	vmax.f32 v15, v19  }
0x48: {  	v39 =	vld.idx.msk [tilespmem:v26+s2+$0x0], $0xffff;
	v22 =	vor.u32 v5, v22;
	v15 =	vmax.f32 v15, v20  }
0x49: {  	s8 =	sadd.s32 $0x10, s5;
	v40 =	vor.u32 v1, v16;
	v41 =	vld.idx.msk [tilespmem:v63+s2+$0x0], $0xffff;
	v15 =	vmax.f32 v15, v25  }
0x4a: {  	s9 =	sadd.s32 $0x20, s5;
	v14 =	vld.idx.msk [tilespmem:v14+s2+$0x0], $0xffff;
	v42 =	vor.u32 s8, v1;
	v15 =	vmax.f32 v15, v33  }
0x4b: {  	s10 =	sadd.s32 $0x30, s5;
	v13 =	vld.idx.msk [tilespmem:v13+s2+$0x0], $0xffff;
	v43 =	vor.u32 s9, v1;
	v15 =	vmax.f32 v15, v36  }
0x4c: {  	s7 =	sadd.s32 $0x40, s5;
	v44 =	vor.u32 s10, v1;
	v23 =	vld.idx.msk [tilespmem:v38+s2+$0x0], $0xffff;
	v15 =	vmax.f32 v15, v37  }
0x4d: {  	v45 =	vor.u32 s7, v1;
	s8 =	sadd.s32 $0x50, s5;
	v22 =	vld.idx.msk [tilespmem:v22+s2+$0x0], $0xffff;
	v15 =	vmax.f32 v15, v39  }
0x4e: {  	s9 =	sadd.s32 $0x60, s5;
	v47 =	vor.u32 s8, v1;
	v46 =	vld.idx.msk [tilespmem:v40+s2+$0x0], $0xffff;
	v15 =	vmax.f32 v15, v41  }
0x4f: {  	v49 =	vor.u32 s9, v1;
	v48 =	vld.idx.msk [tilespmem:v42+s2+$0x0], $0xffff;
	v14 =	vmax.f32 v15, v14  }
0x50: {  	s10 =	sadd.s32 $0x80, s5;
	v16 =	vor.u32 v5, v16;
	v15 =	vld.idx.msk [tilespmem:v43+s2+$0x0], $0xffff;
	v13 =	vmax.f32 v14, v13  }
0x51: {  	s7 =	sadd.s32 $0x90, s5;
	v50 =	vor.u32 s10, v1;
	v14 =	vld.idx.msk [tilespmem:v44+s2+$0x0], $0xffff;
	v13 =	vmax.f32 v13, v23  }
0x52: {  	v51 =	vor.u32 s7, v1;
	s8 =	sadd.s32 $0xA0, s5;
	s7 =	sadd.s32 $0xF0, s5;
	v17 =	vld.idx.msk [tilespmem:v45+s2+$0x0], $0xffff;
	v13 =	vmax.f32 v13, v22  }
0x53: {  	s9 =	sadd.s32 $0xB0, s5;
	v52 =	vor.u32 s8, v1;
	v53 =	vmov s7;
	v20 =	vld.idx.msk [tilespmem:v47+s2+$0x0], $0xffff;
	v13 =	vmax.f32 v13, v46  }
0x54: {  	s10 =	sadd.s32 $0xC0, s5;
	v55 =	vor.u32 s9, v1;
	v54 =	vld.idx.msk [tilespmem:v49+s2+$0x0], $0xffff;
	v23 =	vshrl.u32 v53, $0x7;
	v13 =	vmax.f32 v13, v48  }
0x55: {  	s8 =	sadd.s32 $0xD0, s5;
	v56 =	vor.u32 s10, v1;
	v16 =	vld.idx.msk [tilespmem:v16+s2+$0x0], $0xffff;
	v23 =	vshll.u32 v23, v4;
	v13 =	vmax.f32 v13, v15  }
0x56: {  	s9 =	sadd.s32 $0xE0, s5;
	v18 =	vld.idx.msk [tilespmem:v50+s2+$0x0], $0xffff;
	v23 =	vbroadcast v23, $0x0;
	v15 =	vor.u32 s8, v1;
	v13 =	vmax.f32 v13, v14  }
0x57: {  	v57 =	vor.u32 s9, v1;
	v14 =	vld.idx.msk [tilespmem:v51+s2+$0x0], $0xffff;
	v13 =	vmax.f32 v13, v17  }
0x58: {  	v58 =	vld.idx.msk [tilespmem:v52+s2+$0x0], $0xffff;
	v59 =	vor.u32 v5, v23;
	v13 =	vmax.f32 v13, v20  }
0x59: {  	v60 =	vld.idx.msk [tilespmem:v55+s2+$0x0], $0xffff;
	v13 =	vmax.f32 v13, v54  }
0x5a: {  	v61 =	vld.idx.msk [tilespmem:v56+s2+$0x0], $0xffff;
	v13 =	vmax.f32 v13, v16  }
0x5b: {  	v15 =	vld.idx.msk [tilespmem:v15+s2+$0x0], $0xffff;
	v13 =	vmax.f32 v13, v18  }
0x5c: {  	v62 =	vld.idx.msk [tilespmem:v57+s2+$0x0], $0xffff;
	v13 =	vmax.f32 v13, v14  }
0x5d: {  	s10 =	sshll.u32 s1, $0x4;
	s1 =	sadd.s32 $0x1, s1;
	v14 =	vld.idx.msk [tilespmem:v59+s2+$0x0], $0xffff;
	v13 =	vmax.f32 v13, v58  }
0x5e: {  	p1 =	sne.s32 s1, $0x20;
	v63 =	vor.u32 s10, v1;
	v13 =	vmax.f32 v13, v60  }
.Ltmp3:
0x5f: {  	v13 =	vmax.f32 v13, v61;
	(pc) =	sbr.rel @p1 .LBB2_2-.Ltmp3, $4  }
0x60: {  	v13 =	vmax.f32 v13, v15  }
0x61: {  	v13 =	vmax.f32 v13, v62  }
0x62: {  	v13 =	vmax.f32 v13, v14  }
0x63: {  	s31 =	sadd.s32 $0x400, s31;
	[tilespmem:v63+s25+$0x0] =	vst.idx.msk $0xffff, v13;
	v12 =	vmax.f32 v12, v13  }
0x64: {  	s1 =	simm.s32 $0x0  }
.LBB2_6:
0x65: {  	(xrf0) =	vmax.scan.msk.f32 $0xffff, v12;
	_ =	sdelay $0x5  }
0x66: {  	v13, _, _ =	vpop (xrf0)  }
0x67: {  	v13 =	vbroadcast v13, $0xF;
	_ =	sdelay $0x1  }
0x68: {  	vm1 =	veq.f32 v12, v13  }
0x69: {  	v14 =	vmctz.xlane vm1;
	_ =	sdelay $0x1  }
0x6a: {  	v14 =	vxor.u32 $0x80000000, v14  }
0x6b: {  	(xrf0) =	vmax.scan.msk.u32 $0xffff, v14;
	_ =	sdelay $0x5  }
0x6c: {  	v14, _, _ =	vpop (xrf0)  }
0x6d: {  	(v2sf) =	vpush v14, $0xF;
	_ =	sdelay $0xe  }
0x6e: {  	s5 =	spop (v2sf)  }
0x6f: {  	s5 =	sxor.u32 $0x80000000, s5  }
0x70: {  	v14 =	vadd.s32 s5, v6  }
0x71: {  	v15 =	vadd.s32 s5, v2;
	_ =	sdelay $0x3  }
0x72: {  	v14 =	vld.idx.msk [tilespmem:v14+s25+$0x0], $0xffff  }
0x73: {  	v15 =	vld.idx.msk [tilespmem:v15+s25+$0x0], $0xffff;
	_ =	sdelay $0x3  }
0x74: {  	vm1 =	veq.f32 v14, v13  }
0x75: {  	vm2 =	veq.f32 v15, v13;
	v16 =	vnsel vm1, $0xC0000000, v3  }
0x76: {  	v16 =	vsel vm2, v7, v16  }
0x77: {  	(xrf0) =	vmin.scan.msk.u32 $0xffff, v16;
	_ =	sdelay $0x5  }
0x78: {  	v16, _, _ =	vpop (xrf0)  }
0x79: {  	(v2sf) =	vpush v16, $0xF;
	_ =	sdelay $0xe  }
0x7a: {  	s6 =	spop (v2sf)  }
0x7b: {  	s7 =	sshll.u32 s6, $0x6  }
0x7c: {  	v56 =	vor.u32 s7, v1;
	s8 =	sor.u32 $0x10, s7  }
0x7d: {  	v17 =	vshll.u32 v56, $0x4;
	v18 =	vor.u32 s8, v1  }
0x7e: {  	s10 =	sor.u32 $0x20, s7;
	v17 =	vadd.s32 s5, v17;
	v19 =	vshll.u32 v18, $0x4  }
0x7f: {  	v20 =	vor.u32 s10, v1;
	v19 =	vadd.s32 s5, v19  }
0x80: {  	s7 =	sor.u32 $0x30, s7;
	v21 =	vshll.u32 v20, $0x4  }
0x81: {  	v22 =	vor.u32 s7, v1;
	v21 =	vadd.s32 s5, v21  }
0x82: {  	v23 =	vshll.u32 v22, $0x4  }
0x83: {  	v23 =	vadd.s32 s5, v23;
	v17 =	vld.idx.msk [tilespmem:v17+s2+$0x0], $0xffff  }
0x84: {  	v19 =	vld.idx.msk [tilespmem:v19+s2+$0x0], $0xffff;
	_ =	sdelay $0x1  }
0x85: {  	v21 =	vld.idx.msk [tilespmem:v21+s2+$0x0], $0xffff;
	_ =	sdelay $0x1  }
0x86: {  	v23 =	vld.idx.msk [tilespmem:v23+s2+$0x0], $0xffff  }
0x87: {  	vm1 =	veq.f32 v17, v13;
	vm2 =	veq.f32 v19, v13  }
0x88: {  	v24 =	vnsel vm1, $0x40000000, v56;
	v25 =	vnsel vm2, $0x40000000, v18  }
0x89: {  	vm2 =	veq.f32 v21, v13;
	vm1 =	vlt.s32 v24, v25  }
0x8a: {  	v57 =	vnsel vm2, $0x40000000, v20;
	v24 =	vsel vm1, v24, v25  }
0x8b: {  	vm2 =	veq.f32 v23, v13;
	vm1 =	vlt.s32 v24, v57  }
0x8c: {  	v58 =	vnsel vm2, $0x40000000, v22;
	v24 =	vsel vm1, v24, v57  }
0x8d: {  	vm1 =	vlt.s32 v24, v58  }
0x8e: {  	v24 =	vsel vm1, v24, v58  }
0x8f: {  	v24 =	vxor.u32 $0x80000000, v24  }
0x90: {  	(xrf0) =	vmin.scan.msk.u32 $0xffff, v24;
	_ =	sdelay $0x5  }
0x91: {  	v24, _, _ =	vpop (xrf0)  }
0x92: {  	(v2sf) =	vpush v24, $0xF;
	_ =	sdelay $0xe  }
0x93: {  	s31 =	spop (v2sf)  }
0x94: {  	s9 =	sxor.u32 $0x80000000, s31  }
0x95: {  	vm1 =	veq.s32 v18, s9  }
0x96: {  	v18 =	vsel vm1, $0xFF800000, v19  }
0x97: {  	vm1 =	veq.s32 v56, s9;
	v59 =	vmax.f32 v17, v18  }
0x98: {  	v16 =	vsel vm1, v18, v59  }
0x99: {  	vm1 =	veq.s32 v20, s9;
	v60 =	vmax.f32 v16, v21  }
0x9a: {  	v16 =	vsel vm1, v16, v60  }
0x9b: {  	vm1 =	veq.s32 v22, s9;
	v17 =	vmax.f32 v16, v23  }
0x9c: {  	v16 =	vsel vm1, v16, v17  }
0x9d: {  	(xrf0) =	vmax.scan.msk.f32 $0xffff, v16;
	_ =	sdelay $0x5  }
0x9e: {  	s10 =	sxor.u32 $0x80000000, s6;
	v16, _, _ =	vpop (xrf0)  }
0x9f: {  	v61 =	vmov s10;
	v16 =	vbroadcast v16, $0xF  }
0xa0: {  	vm2 =	veq.s32 v61, v9;
	vm1 =	veq.s32 v61, v1  }
0xa1: {  	v15 =	vsel vm1, v16, v15;
	v14 =	vsel vm2, v16, v14  }
0xa2: {  	s7 =	sshll.u32 s31, $0x4;
	v14 =	vmax.f32 v15, v14  }
0xa3: {  	s6 =	sshll.u32 s6, $0x4;
	s7 =	sadd.s32 s5, s7;
	(xrf0) =	vmax.scan.msk.f32 $0xffff, v14  }
0xa4: {  	s6 =	sadd.s32 s5, s6;
	v14 =	vmov s7  }
0xa5: {  	v15 =	vmov s6  }
0xa6: {  	v62 =	vmov s1  }
0xa7: {  	p1 =	sne.s32 s1, $0x1F  }
.Ltmp4:
0xa8: {  	_ = 	snop;
	(pc) =	sbr.rel @p1 .LBB2_6-.Ltmp4, $4  }
0xa9: {  	[tilespmem:v14+s2+$0x0] =	vst.idx.msk $0x1, v8;
	v14, _, _ =	vpop (xrf0)  }
0xaa: {  	v63 =	vmov s5;
	s31 =	sadd.s32 s20, s7;
	[tilespmem:v15+s25+$0x0] =	vst.idx.msk $0x1, v16;
	v14 =	vbroadcast v14, $0xF  }
0xab: {  	vm1 =	veq.s32 v63, v1;
	[tilespmem:v62+s26+$0x0] =	vst.idx.msk $0x1, v13;
	v13 =	vmov s31  }
0xac: {  	s1 =	sadd.s32 $0x1, s1;
	[tilespmem:v62+s28+$0x0] =	vst.idx.msk $0x1, v13;
	v12 =	vsel vm1, v14, v12  }
0xad: {  	[hbm4b:s3+s2] =	stream.linear.scatter [tilespmem:s26], [sflag:$0x1], $0x20, $0x38;
	[tilespmem:$0x8500] =	vst v63  }
0xae: {  	_ =	swait.ge [sflag:s24], $0x20  }
0xaf: {  	[sflag:s24] =	ssyncset.done $0x0  }
0xb0: {  	[sflag:s24] =	ssyncadd.s32 $0xFFFFFFE0  }
0xb1: {  	[hbm4b:s4+s2] =	stream.linear.scatter [tilespmem:s28], [sflag:$0x1], $0x20, $0x38;
	[tilespmem:$0x8500] =	vst v63  }
.Ltmp5:
0xb2: {  	_ =	swait.ge [sflag:s24], $0x20;
	(pc) =	sbr.rel @p0 .LBB2_11-.Ltmp5, $3  }
0xb3: {  	[sflag:s24] =	ssyncset.done $0x0  }
0xb4: {  	[sflag:s24] =	ssyncadd.s32 $0xFFFFFFE0  }
0xb5: {  	[bflag:$0x0] =	sbarrier.arrive $0xFFFF;
	_ =	sdelay $0x1  }
0xb6: {  	s1 =	simm.s32 $0x0  }
0xb7: {  	[tilespmem:s29], [sflag:$0x1] =	stream.linear.gather [hbm4b:s3+s1], $0x20, $0x38;
	[tilespmem:$0x8500] =	vst v63  }
0xb8: {  	_ =	swait.ge [sflag:s24], $0x20  }
0xb9: {  	[sflag:s24] =	ssyncset.done $0x0  }
0xba: {  	[sflag:s24] =	ssyncadd.s32 $0xFFFFFFE0  }
0xbb: {  	[tilespmem:s30], [sflag:$0x1] =	stream.linear.gather [hbm4b:s4+s1], $0x20, $0x38;
	[tilespmem:$0x8500] =	vst v63  }
0xbc: {  	_ =	swait.ge [sflag:s24], $0x20  }
0xbd: {  	[sflag:s24] =	ssyncset.done $0x0  }
0xbe: {  	s6 =	simm.s32 $0x8320;
	s5 =	rddreg [dreg:$0x3];
	[sflag:s24] =	ssyncadd.s32 $0xFFFFFFE0  }
0xbf: {  	[tilespmem:s6], [sflag:$0x1] =	stream.linear.gather [hbm4b:s5+s1], $0x20, $0x38;
	[tilespmem:$0x8500] =	vst v63  }
0xc0: {  	_ =	swait.ge [sflag:s24], $0x20  }
0xc1: {  	[sflag:s24] =	ssyncset.done $0x0  }
0xc2: {  	s7 =	simm.s32 $0x8420;
	s6 =	rddreg [dreg:$0x4];
	[sflag:s24] =	ssyncadd.s32 $0xFFFFFFE0  }
0xc3: {  	[tilespmem:s7], [sflag:$0x1] =	stream.linear.gather [hbm4b:s6+s1], $0x20, $0x38;
	[tilespmem:$0x8500] =	vst v63  }
0xc4: {  	_ =	swait.ge [sflag:s24], $0x20  }
0xc5: {  	[sflag:s24] =	ssyncset.done $0x0  }
0xc6: {  	s9 =	simm.s32 $0x8340;
	s8 =	rddreg [dreg:$0x5];
	[sflag:s24] =	ssyncadd.s32 $0xFFFFFFE0  }
0xc7: {  	[tilespmem:s9], [sflag:$0x1] =	stream.linear.gather [hbm4b:s8+s1], $0x20, $0x38;
	[tilespmem:$0x8500] =	vst v63  }
0xc8: {  	_ =	swait.ge [sflag:s24], $0x20  }
0xc9: {  	[sflag:s24] =	ssyncset.done $0x0  }
0xca: {  	s31 =	simm.s32 $0x8440;
	s10 =	rddreg [dreg:$0x6];
	[sflag:s24] =	ssyncadd.s32 $0xFFFFFFE0  }
0xcb: {  	[tilespmem:s31], [sflag:$0x1] =	stream.linear.gather [hbm4b:s10+s1], $0x20, $0x38;
	[tilespmem:$0x8500] =	vst v63  }
0xcc: {  	_ =	swait.ge [sflag:s24], $0x20  }
0xcd: {  	[sflag:s24] =	ssyncset.done $0x0  }
0xce: {  	s7 =	simm.s32 $0x8360;
	s6 =	rddreg [dreg:$0x7];
	[sflag:s24] =	ssyncadd.s32 $0xFFFFFFE0  }
0xcf: {  	[tilespmem:s7], [sflag:$0x1] =	stream.linear.gather [hbm4b:s6+s1], $0x20, $0x38;
	[tilespmem:$0x8500] =	vst v63  }
0xd0: {  	_ =	swait.ge [sflag:s24], $0x20  }
0xd1: {  	[sflag:s24] =	ssyncset.done $0x0  }
0xd2: {  	s9 =	simm.s32 $0x8460;
	s8 =	rddreg [dreg:$0x8];
	[sflag:s24] =	ssyncadd.s32 $0xFFFFFFE0  }
0xd3: {  	[tilespmem:s9], [sflag:$0x1] =	stream.linear.gather [hbm4b:s8+s1], $0x20, $0x38;
	[tilespmem:$0x8500] =	vst v63  }
0xd4: {  	_ =	swait.ge [sflag:s24], $0x20  }
0xd5: {  	[sflag:s24] =	ssyncset.done $0x0  }
0xd6: {  	s10 =	simm.s32 $0x8380;
	[sflag:s24] =	ssyncadd.s32 $0xFFFFFFE0  }
0xd7: {  	[tilespmem:s10], [sflag:$0x1] =	stream.linear.gather [hbm4b:s11+s1], $0x20, $0x38;
	[tilespmem:$0x8500] =	vst v63  }
0xd8: {  	_ =	swait.ge [sflag:s24], $0x20  }
0xd9: {  	[sflag:s24] =	ssyncset.done $0x0  }
0xda: {  	s31 =	simm.s32 $0x8480;
	[sflag:s24] =	ssyncadd.s32 $0xFFFFFFE0  }
0xdb: {  	[tilespmem:s31], [sflag:$0x1] =	stream.linear.gather [hbm4b:s12+s1], $0x20, $0x38;
	[tilespmem:$0x8500] =	vst v63  }
0xdc: {  	_ =	swait.ge [sflag:s24], $0x20  }
0xdd: {  	[sflag:s24] =	ssyncset.done $0x0  }
0xde: {  	s6 =	simm.s32 $0x83A0;
	[sflag:s24] =	ssyncadd.s32 $0xFFFFFFE0  }
0xdf: {  	[tilespmem:s6], [sflag:$0x1] =	stream.linear.gather [hbm4b:s13+s1], $0x20, $0x38;
	[tilespmem:$0x8500] =	vst v63  }
0xe0: {  	_ =	swait.ge [sflag:s24], $0x20  }
0xe1: {  	[sflag:s24] =	ssyncset.done $0x0  }
0xe2: {  	s7 =	simm.s32 $0x84A0;
	[sflag:s24] =	ssyncadd.s32 $0xFFFFFFE0  }
0xe3: {  	[tilespmem:s7], [sflag:$0x1] =	stream.linear.gather [hbm4b:s14+s1], $0x20, $0x38;
	[tilespmem:$0x8500] =	vst v63  }
0xe4: {  	_ =	swait.ge [sflag:s24], $0x20  }
0xe5: {  	[sflag:s24] =	ssyncset.done $0x0  }
0xe6: {  	s8 =	simm.s32 $0x83C0;
	[sflag:s24] =	ssyncadd.s32 $0xFFFFFFE0  }
0xe7: {  	[tilespmem:s8], [sflag:$0x1] =	stream.linear.gather [hbm4b:s15+s1], $0x20, $0x38;
	[tilespmem:$0x8500] =	vst v63  }
0xe8: {  	_ =	swait.ge [sflag:s24], $0x20  }
0xe9: {  	[sflag:s24] =	ssyncset.done $0x0  }
0xea: {  	s9 =	simm.s32 $0x84C0;
	[sflag:s24] =	ssyncadd.s32 $0xFFFFFFE0  }
0xeb: {  	[tilespmem:s9], [sflag:$0x1] =	stream.linear.gather [hbm4b:s16+s1], $0x20, $0x38;
	[tilespmem:$0x8500] =	vst v63  }
0xec: {  	_ =	swait.ge [sflag:s24], $0x20  }
0xed: {  	[sflag:s24] =	ssyncset.done $0x0  }
0xee: {  	s10 =	simm.s32 $0x83E0;
	[sflag:s24] =	ssyncadd.s32 $0xFFFFFFE0  }
0xef: {  	[tilespmem:s10], [sflag:$0x1] =	stream.linear.gather [hbm4b:s17+s1], $0x20, $0x38;
	[tilespmem:$0x8500] =	vst v63  }
0xf0: {  	_ =	swait.ge [sflag:s24], $0x20  }
0xf1: {  	[sflag:s24] =	ssyncset.done $0x0  }
0xf2: {  	s31 =	simm.s32 $0x84E0;
	[sflag:s24] =	ssyncadd.s32 $0xFFFFFFE0  }
0xf3: {  	[tilespmem:s31], [sflag:$0x1] =	stream.linear.gather [hbm4b:s18+s1], $0x20, $0x38;
	[tilespmem:$0x8500] =	vst v63  }
0xf4: {  	_ =	swait.ge [sflag:s24], $0x20  }
0xf5: {  	[sflag:s24] =	ssyncset.done $0x0  }
0xf6: {  	[sflag:s24] =	ssyncadd.s32 $0xFFFFFFE0  }
0xf7: {  	v12 =	vld.idx.msk [tilespmem:v10+s29+$0x0], $0xffff  }
0xf8: {  	v13 =	vld.idx.msk [tilespmem:v10+s30+$0x0], $0xffff;
	_ =	sdelay $0x3  }
0xf9: {  	v12 =	vnsel vm0, $0xFF800000, v12  }
0xfa: {  	v14 =	vmov v10;
	s5 =	simm.s32 $0x1;
	v13 =	vnsel vm0, $0x40000000, v13;
	(xrf0) =	vmax.scan.msk.f32 $0xffff, v12  }
.LBB2_9:
0xfb: {  	p1 =	sne.s32 s5, $0x1F;
	_ =	sdelay $0x4  }
0xfc: {  	v15, _, _ =	vpop (xrf0)  }
0xfd: {  	v15 =	vbroadcast v15, $0xF;
	_ =	sdelay $0x1  }
0xfe: {  	v16 =	vxor.u32 $0x80000000, v13;
	vm1 =	veq.f32 v12, v15  }
0xff: {  	v16 =	vnsel vm1, $0xC0000000, v16  }
0x100: {  	(xrf0) =	vmin.scan.msk.u32 $0xffff, v16;
	_ =	sdelay $0x5  }
0x101: {  	v16, _, _ =	vpop (xrf0)  }
0x102: {  	(v2sf) =	vpush v16, $0xF;
	_ =	sdelay $0xe  }
0x103: {  	s6 =	spop (v2sf)  }
0x104: {  	s6 =	sxor.u32 $0x80000000, s6  }
0x105: {  	v16 =	vmov s6;
	vm2 =	veq.s32 v13, s6  }
0x106: {  	vm1 =	vmand vm1, vm2  }
0x107: {  	v17 =	vsel vm1, $0x1, v0  }
0x108: {  	v14 =	vadd.s32 v17, v14  }
0x109: {  	vm2 =	vlt.s32 v14, $0xFF;
	vm3 =	vgt.s32 v14, v11  }
0x10a: {  	v17 =	vnsel vm2, $0xFF, v14  }
0x10b: {  	v18 =	vmov s1;
	s1 =	smov.u32 s5;
	_ =	sdelay $0x3  }
0x10c: {  	v19 =	vld.idx.msk [tilespmem:v17+s29+$0x0], $0xffff  }
0x10d: {  	v17 =	vld.idx.msk [tilespmem:v17+s30+$0x0], $0xffff;
	[tilespmem:v18+s26+$0x0] =	vst.idx.msk $0x1, v15  }
0x10e: {  	[tilespmem:v18+s28+$0x0] =	vst.idx.msk $0x1, v16;
	_ =	sdelay $0x1  }
.Ltmp6:
0x10f: {  	(pc) =	sbr.rel @p1 .LBB2_9-.Ltmp6, $4  }
0x110: {  	_ = 	snop  }
0x111: {  	v15 =	vsel vm3, $0xFF800000, v19  }
0x112: {  	v12 =	vsel vm1, v15, v12;
	v15 =	vsel vm3, $0x40000000, v17  }
0x113: {  	s5 =	sadd.s32 $0x1, s5;
	v13 =	vsel vm1, v15, v13;
	(xrf0) =	vmax.scan.msk.f32 $0xffff, v12  }
0x114: {  	_ =	sdelay $0x4  }
0x115: {  	v14, _, _ =	vpop (xrf0)  }
0x116: {  	v14 =	vbroadcast v14, $0xF;
	_ =	sdelay $0x1  }
0x117: {  	v61 =	vxor.u32 $0x80000000, v13;
	vm1 =	veq.f32 v12, v14  }
0x118: {  	v12 =	vnsel vm1, $0xC0000000, v61  }
0x119: {  	(xrf0) =	vmin.scan.msk.u32 $0xffff, v12;
	_ =	sdelay $0x5  }
0x11a: {  	v12, _, _ =	vpop (xrf0)  }
0x11b: {  	(v2sf) =	vpush v12, $0xF;
	_ =	sdelay $0xb  }
0x11c: {  	v62 =	vmov s1;
	_ =	sdelay $0x2  }
0x11d: {  	s31 =	spop (v2sf)  }
0x11e: {  	s1 =	sxor.u32 $0x80000000, s31  }
0x11f: {  	[tilespmem:v62+s26+$0x0] =	vst.idx.msk $0x1, v14;
	v63 =	vmov s1  }
0x120: {  	[tilespmem:v62+s28+$0x0] =	vst.idx.msk $0x1, v63  }
0x121: {  	[hbm4b:s19+s2] =	stream.linear.scatter [tilespmem:s26], [sflag:$0x1], $0x20, $0x38;
	[tilespmem:$0x8500] =	vst v63  }
0x122: {  	_ =	swait.ge [sflag:s24], $0x20  }
0x123: {  	[sflag:s24] =	ssyncset.done $0x0  }
.Ltmp7:
0x124: {  	[sflag:s24] =	ssyncadd.s32 $0xFFFFFFE0;
	(pc) =	sbr.rel .LBB2_11-.Ltmp7, $4  }
0x125: {  	[hbm4b:s21+s2] =	stream.linear.scatter [tilespmem:s28], [sflag:$0x1], $0x20, $0x38;
	[tilespmem:$0x8500] =	vst v63  }
0x126: {  	_ =	swait.ge [sflag:s24], $0x20  }
0x127: {  	[sflag:s24] =	ssyncset.done $0x0  }
0x128: {  	[sflag:s24] =	ssyncadd.s32 $0xFFFFFFE0  }
.LBB2_12:
0x129: {  	_ =	sfence.sel $0x180000  }
0x12a: {  	[bflag:$0x0] =	sbarrier.arrive $0xFFFF  }
0x12b: {  	_ =	strace $0x90000047  }
0x12c: {  	s0 =	stileid.u32;
	[bflag:$0x2] =	sbarrier.arrive $0xFFFF  }
0x12d: {  	p0 =	sne.s32 s0, $0x0;
	s0 =	rddreg [dreg:$0x2]  }
0x12e: {  	s0 =	sadd.s32 @!p0 $0x100000, s0  }
0x12f: {  	[sflag:s0] =	ssyncadd.tile.s32 @!p0 $0x1;
	_ =	shalt  }
.Lfunc_end2:
_tile_overlayer_lowered:
.L_overlay_start_2:
0x130: {  	(tag) =	ssettag $0x2  }
0x131: {  	s0 =	rddreg [dreg:$0x0];
	s2 =	stileid.u32  }
0x132: {  	s1 =	rddreg [dreg:$0x1];
	p0 =	sne.s32 s2, $0x0  }
0x133: {  	s3 =	rddreg [dreg:$0x2];
	[bflag:$0x3] =	sbarrier.arrive $0xFFFF;
	s2 =	simm.s32 @!p0 $0x1C01  }
0x134: {  	[timem:s3], [sflag:s2] =	dma.local @!p0 [hbm:s0], s1  }
0x135: {  	s0 =	simm.s32 @!p0 $0x1  }
0x136: {  	_ =	swait.ge @!p0 [sflag:s0], s1  }
0x137: {  	s1 =	ssub.s32 @!p0 $0x0, s1;
	[sflag:s0] =	ssyncset.done @!p0 $0x0  }
0x138: {  	[sflag:s0] =	ssyncadd.s32 @!p0 s1  }
0x139: {  	[bflag:$0x3] =	sbarrier.arrive $0xFFFF  }
0x13a: {  	_ =	shalt  }

</sc_bundles>
